<compile_context>
chip_gen: v7x
topology: tpu7x:2x2x1
jax: 0.10.2.dev20260603
libtpu: 0.0.44.dev20260713+nightly
codegen_flags: <defaults>
</compile_context>

<pallas_src>
import functools

import jax
import jax.numpy as jnp
from jax import lax
from jax.experimental import pallas as pl
from jax.experimental.pallas import tpu as pltpu
from jax.experimental.pallas import tpu_sc as plsc

N = 100000
D = 128
M = 4
K = 256
SUB = D // M
CPAD = 16

NC = 2
NS = 16
NW = NC * NS
L16 = 16

BL = 4096 * 50
PER_TILE = BL // NW
SB = 128
NSB = PER_TILE // SB
QG = SB * M // L16


def _pq_kernel(ids_hbm, cb_hbm, codes_hbm, out_hbm,
               ids_v, cb_v, c16_v0, c16_v1, cflat_v, out_v0, out_v1,
               sem_c0, sem_c1, sem_o0, sem_o1):
    wid = lax.axis_index("s") * NC + lax.axis_index("c")
    row0 = wid * PER_TILE

    pltpu.sync_copy(ids_hbm.at[wid], ids_v)

    iota = lax.iota(jnp.int32, L16)
    lane_lt4 = iota < 4
    lane_m = iota & 3
    lane_id = iota >> 2
    mvec = lane_m * (K * SUB)
    packoff = lane_id * D + lane_m * SUB

    c16 = (c16_v0, c16_v1)
    sem_c = (sem_c0, sem_c1)
    outs = (out_v0, out_v1)
    sem_o = (sem_o0, sem_o1)

    def fire_codes(sb, b):
        pltpu.async_copy(codes_hbm.at[ids_v.at[sb]], c16[b], sem_c[b])

    def wait_codes(sb, b):
        pltpu.make_async_copy(codes_hbm.at[ids_v.at[sb]], c16[b],
                              sem_c[b]).wait()

    fire_codes(0, 0)
    fire_codes(1, 1)
    pltpu.sync_copy(cb_hbm, cb_v)

    def do_block(sb, b):
        wait_codes(sb, b)

        def deint(r, carry):
            v = c16[b][r]
            plsc.store_scatter(cflat_v, [r * 4 + iota], v)
            return carry
        lax.fori_loop(0, SB, deint, 0)

        @pl.when(sb + 2 < NSB)
        def _refill():
            pltpu.async_copy(codes_hbm.at[ids_v.at[sb + 2]], c16[b], sem_c[b])

        @pl.when(sb >= 2)
        def _wait_out():
            pltpu.make_async_copy(
                outs[b], out_hbm.at[pl.ds(row0 * D, SB * D)], sem_o[b]).wait()

        def group(q, carry):
            cvec = cflat_v[pl.ds(q * L16, L16)]
            base = cvec * SUB + mvec
            st_base = q * 4 * D + packoff
            for t in range(SUB):
                val = plsc.load_gather(cb_v, [base + t])
                plsc.store_scatter(outs[b], [st_base + t], val)
            return carry
        lax.fori_loop(0, QG, group, 0)

        pltpu.async_copy(
            outs[b], out_hbm.at[pl.ds((row0 + sb * SB) * D, SB * D)],
            sem_o[b])

    def outer(o, carry):
        do_block(o * 2, 0)
        do_block(o * 2 + 1, 1)
        return carry

    lax.fori_loop(0, NSB // 2, outer, 0)

    pltpu.make_async_copy(
        out_v0, out_hbm.at[pl.ds(row0 * D, SB * D)], sem_o0).wait()
    pltpu.make_async_copy(
        out_v1, out_hbm.at[pl.ds(row0 * D, SB * D)], sem_o1).wait()


@jax.jit
def _pq_embedding(ids3d, cb_flat, codes16):
    k = functools.partial(
        pl.kernel,
        mesh=plsc.VectorSubcoreMesh(core_axis_name="c", subcore_axis_name="s"),
        out_type=jax.ShapeDtypeStruct((BL * D,), jnp.float32),
        scratch_types=[
            pltpu.VMEM((NSB, 128), jnp.int32),
            pltpu.VMEM((M * K * SUB,), jnp.float32),
            pltpu.VMEM((SB, CPAD), jnp.int32),
            pltpu.VMEM((SB, CPAD), jnp.int32),
            pltpu.VMEM((SB * M + L16 - M,), jnp.int32),
            pltpu.VMEM((SB * D,), jnp.float32),
            pltpu.VMEM((SB * D,), jnp.float32),
            pltpu.SemaphoreType.DMA,
            pltpu.SemaphoreType.DMA,
            pltpu.SemaphoreType.DMA,
            pltpu.SemaphoreType.DMA,
        ],
        compiler_params=pltpu.CompilerParams(needs_layout_passes=False,
                                             use_tc_tiling_on_sc=False),
    )(_pq_kernel)
    return k(ids3d, cb_flat, codes16)


def kernel(input_ids, codebooks, codes):
    B, Lseq = input_ids.shape
    ids3d = input_ids.reshape(NW, NSB, 128)
    cb_flat = codebooks.reshape(-1)
    codes16 = jnp.pad(codes, ((0, 0), (0, CPAD - M)))
    out = _pq_embedding(ids3d, cb_flat, codes16)
    return out.reshape(B, Lseq, D)

# --- scband reference (transcript-rebuilt; emitter-appended) ---
"""Pipeline reference for scband-pqembedding-1692217114716 (READ-ONLY COPY).

The authoritative reference and input builder live on the scoring server;
editing this copy changes nothing except your own understanding.
"""

import jax, jax.numpy as jnp
import numpy as np

N = 100000   # num_embeddings
D = 128      # embedding_dim
M = 4        # subvectors
K = 256      # centroids per subvector
SUB = D // M
B = 4096
L = 50

def setup_inputs(seed: int = 0) -> dict:
    key = jax.random.key(seed)
    k1, k2, k3 = jax.random.split(key, 3)
    input_ids = jax.random.randint(k1, (B, L), 0, N, dtype=jnp.int32)
    codebooks = jax.random.normal(k2, (M, K, SUB), dtype=jnp.float32)
    codes = jax.random.randint(k3, (N, M), 0, K, dtype=jnp.int32)
    return {"input_ids": input_ids, "codebooks": codebooks, "codes": codes}

def reference(input_ids, codebooks, codes):
    # _get_embeddings: gather centroid per (row, subspace) then flatten to [N, D]
    m_idx = jnp.arange(M)[None, :]            # [1, M]
    emb = codebooks[m_idx, codes]             # [N, M, SUB] via gather over centroid axis
    table = emb.reshape(N, D)                 # reconstructed embedding matrix
    # F.embedding(input_ids, table)
    return jnp.take(table, input_ids, axis=0) # [B, L, D]

if __name__ == "__main__":
    import jax
    _d = setup_inputs()
    print(jax.jit(kernel)(*tuple(_d.values())))

</pallas_src>

<mosaic_0001>
#map = affine_map<(d0, d1) -> (0, 0, 0)>
#map1 = affine_map<(d0, d1) -> (0)>
#map2 = affine_map<(d0, d1) -> (0, 0)>
module attributes {stable_mosaic.version = 14 : i64} {
  func.func @_pq_kernel(%arg0: i32, %arg1: i32, %arg2: memref<32x50x128xi32, #tpu.memory_space<hbm>>, %arg3: memref<32768xf32, #tpu.memory_space<hbm>>, %arg4: memref<100000x16xi32, #tpu.memory_space<hbm>>, %arg5: memref<26214400xf32, #tpu.memory_space<hbm>>, %arg6: memref<50x128xi32, #tpu.memory_space<vmem>>, %arg7: memref<32768xf32, #tpu.memory_space<vmem>>, %arg8: memref<128x16xi32, #tpu.memory_space<vmem>>, %arg9: memref<128x16xi32, #tpu.memory_space<vmem>>, %arg10: memref<524xi32, #tpu.memory_space<vmem>>, %arg11: memref<16384xf32, #tpu.memory_space<vmem>>, %arg12: memref<16384xf32, #tpu.memory_space<vmem>>, %arg13: memref<!tpu.dma_semaphore, #tpu.memory_space<semaphore_mem>>, %arg14: memref<!tpu.dma_semaphore, #tpu.memory_space<semaphore_mem>>, %arg15: memref<!tpu.dma_semaphore, #tpu.memory_space<semaphore_mem>>, %arg16: memref<!tpu.dma_semaphore, #tpu.memory_space<semaphore_mem>>) attributes {dimension_semantics = [#tpu.dimension_semantics<core_parallel>, #tpu.dimension_semantics<subcore_parallel>], iteration_bounds = array<i64: 2, 16>, scalar_prefetch = 0 : i64, scratch_operands = 11 : i64, tpu.core_type = #tpu.core_type<sc_vector_subcore>, window_params = [{transform_indices = #map}, {transform_indices = #map1}, {transform_indices = #map2}, {transform_indices = #map1}]} {
    %mul3A = arith.constant 2 : i32
    %mul3A_0 = arith.muli %arg1, %mul3A : i32
    %add3A = arith.addi %mul3A_0, %arg0 : i32
    %mul3A_1 = arith.constant 6400 : i32
    %mul3A_2 = arith.muli %add3A, %mul3A_1 : i32
    "tpu.region"() ({
      %run_scoped3A = tpu.sem_alloc : memref<!tpu.dma_semaphore, #tpu.memory_space<semaphore_mem>>
      %dma_start3A_44 = arith.constant 0 : i32
      %dma_start3A_45 = arith.constant 0 : i32
      %dma_start3A_46 = tpu.memref_slice %arg2[%add3A, %dma_start3A_44, %dma_start3A_45] : memref<32x50x128xi32, #tpu.memory_space<hbm>> -> memref<1x50x128xi32, #tpu.memory_space<hbm>>
      %dma_start3A_47 = tpu.memref_squeeze %dma_start3A_46 : memref<1x50x128xi32, #tpu.memory_space<hbm>> -> memref<50x128xi32, #tpu.memory_space<hbm>>
      %dma_start3A_48 = arith.constant 0 : i32
      %dma_start3A_49 = arith.constant 0 : i32
      %dma_start3A_50 = tpu.memref_slice %arg2[%add3A, %dma_start3A_48, %dma_start3A_49] : memref<32x50x128xi32, #tpu.memory_space<hbm>> -> memref<1x50x128xi32, #tpu.memory_space<hbm>>
      %dma_start3A_51 = tpu.memref_squeeze %dma_start3A_50 : memref<1x50x128xi32, #tpu.memory_space<hbm>> -> memref<50x128xi32, #tpu.memory_space<hbm>>
      tpu.enqueue_dma source(%dma_start3A_51 : memref<50x128xi32, #tpu.memory_space<hbm>>) target(%arg6 : memref<50x128xi32, #tpu.memory_space<vmem>>) target_semaphore(%run_scoped3A : memref<!tpu.dma_semaphore, #tpu.memory_space<semaphore_mem>>)
      %dma_wait3A_52 = arith.constant 0 : i32
      %dma_wait3A_53 = arith.constant 0 : i32
      %dma_wait3A_54 = tpu.memref_slice %arg2[%add3A, %dma_wait3A_52, %dma_wait3A_53] : memref<32x50x128xi32, #tpu.memory_space<hbm>> -> memref<1x50x128xi32, #tpu.memory_space<hbm>>
      %dma_wait3A_55 = tpu.memref_squeeze %dma_wait3A_54 : memref<1x50x128xi32, #tpu.memory_space<hbm>> -> memref<50x128xi32, #tpu.memory_space<hbm>>
      %dma_wait3A_56 = arith.constant 0 : i32
      %dma_wait3A_57 = arith.constant 0 : i32
      %dma_wait3A_58 = tpu.memref_slice %arg2[%add3A, %dma_wait3A_56, %dma_wait3A_57] : memref<32x50x128xi32, #tpu.memory_space<hbm>> -> memref<1x50x128xi32, #tpu.memory_space<hbm>>
      %dma_wait3A_59 = tpu.memref_squeeze %dma_wait3A_58 : memref<1x50x128xi32, #tpu.memory_space<hbm>> -> memref<50x128xi32, #tpu.memory_space<hbm>>
      tpu.wait_dma2 semaphore(%run_scoped3A : memref<!tpu.dma_semaphore, #tpu.memory_space<semaphore_mem>>) src(%dma_wait3A_59 : memref<50x128xi32, #tpu.memory_space<hbm>>) dst(%arg6 : memref<50x128xi32, #tpu.memory_space<vmem>>)
      tpu.yield
    }) : () -> ()
    %iota3A = tpu.iota {dimensions = array<i32: 0>} : vector<16xi32>
    %lt3A = arith.constant 4 : i32
    %lt3A_3 = vector.broadcast %lt3A : i32 to vector<16xi32>
    %lt3A_4 = arith.cmpi slt, %iota3A, %lt3A_3 : vector<16xi32>
    %and3A = arith.constant 3 : i32
    %and3A_5 = vector.broadcast %and3A : i32 to vector<16xi32>
    %and3A_6 = arith.andi %iota3A, %and3A_5 : vector<16xi32>
    %shift_right_arithmetic3A = arith.constant 2 : i32
    %shift_right_arithmetic3A_7 = vector.broadcast %shift_right_arithmetic3A : i32 to vector<16xi32>
    %shift_right_arithmetic3A_8 = arith.shrsi %iota3A, %shift_right_arithmetic3A_7 : vector<16xi32>
    %mul3A_9 = arith.constant 8192 : i32
    %mul3A_10 = vector.broadcast %mul3A_9 : i32 to vector<16xi32>
    %mul3A_11 = arith.muli %and3A_6, %mul3A_10 : vector<16xi32>
    %mul3A_12 = arith.constant 128 : i32
    %mul3A_13 = vector.broadcast %mul3A_12 : i32 to vector<16xi32>
    %mul3A_14 = arith.muli %shift_right_arithmetic3A_8, %mul3A_13 : vector<16xi32>
    %mul3A_15 = arith.constant 32 : i32
    %mul3A_16 = vector.broadcast %mul3A_15 : i32 to vector<16xi32>
    %mul3A_17 = arith.muli %and3A_6, %mul3A_16 : vector<16xi32>
    %add3A_18 = arith.addi %mul3A_14, %mul3A_17 : vector<16xi32>
    %dma_start3A = arith.constant 0 : i32
    %dma_start3A_19 = arith.constant 0 : i32
    %dma_start3A_20 = tpu.memref_slice %arg6[%dma_start3A, %dma_start3A_19] : memref<50x128xi32, #tpu.memory_space<vmem>> -> memref<1x128xi32, #tpu.memory_space<vmem>>
    %dma_start3A_21 = tpu.memref_squeeze %dma_start3A_20 : memref<1x128xi32, #tpu.memory_space<vmem>> -> memref<128xi32, #tpu.memory_space<vmem>>
    %dma_start3A_22 = arith.constant 0 : i32
    %dma_start3A_23 = arith.constant 0 : i32
    %dma_start3A_24 = tpu.memref_slice %arg4[%dma_start3A_22, %dma_start3A_23] : memref<100000x16xi32, #tpu.memory_space<hbm>> -> memref<100000x16xi32, #tpu.memory_space<hbm>>
    tpu.enqueue_indirect_dma source(%dma_start3A_24 : memref<100000x16xi32, #tpu.memory_space<hbm>>) target(%arg8 : memref<128x16xi32, #tpu.memory_space<vmem>>) offsets(%dma_start3A_21 : memref<128xi32, #tpu.memory_space<vmem>>) semaphore(%arg13 : memref<!tpu.dma_semaphore, #tpu.memory_space<semaphore_mem>>)
    %dma_start3A_25 = arith.constant 1 : i32
    %dma_start3A_26 = arith.constant 0 : i32
    %dma_start3A_27 = tpu.memref_slice %arg6[%dma_start3A_25, %dma_start3A_26] : memref<50x128xi32, #tpu.memory_space<vmem>> -> memref<1x128xi32, #tpu.memory_space<vmem>>
    %dma_start3A_28 = tpu.memref_squeeze %dma_start3A_27 : memref<1x128xi32, #tpu.memory_space<vmem>> -> memref<128xi32, #tpu.memory_space<vmem>>
    %dma_start3A_29 = arith.constant 0 : i32
    %dma_start3A_30 = arith.constant 0 : i32
    %dma_start3A_31 = tpu.memref_slice %arg4[%dma_start3A_29, %dma_start3A_30] : memref<100000x16xi32, #tpu.memory_space<hbm>> -> memref<100000x16xi32, #tpu.memory_space<hbm>>
    tpu.enqueue_indirect_dma source(%dma_start3A_31 : memref<100000x16xi32, #tpu.memory_space<hbm>>) target(%arg9 : memref<128x16xi32, #tpu.memory_space<vmem>>) offsets(%dma_start3A_28 : memref<128xi32, #tpu.memory_space<vmem>>) semaphore(%arg14 : memref<!tpu.dma_semaphore, #tpu.memory_space<semaphore_mem>>)
    "tpu.region"() ({
      %run_scoped3A = tpu.sem_alloc : memref<!tpu.dma_semaphore, #tpu.memory_space<semaphore_mem>>
      tpu.enqueue_dma source(%arg3 : memref<32768xf32, #tpu.memory_space<hbm>>) target(%arg7 : memref<32768xf32, #tpu.memory_space<vmem>>) target_semaphore(%run_scoped3A : memref<!tpu.dma_semaphore, #tpu.memory_space<semaphore_mem>>)
      tpu.wait_dma2 semaphore(%run_scoped3A : memref<!tpu.dma_semaphore, #tpu.memory_space<semaphore_mem>>) src(%arg3 : memref<32768xf32, #tpu.memory_space<hbm>>) dst(%arg7 : memref<32768xf32, #tpu.memory_space<vmem>>)
      tpu.yield
    }) : () -> ()
    %scan3A = arith.constant 0 : i32
    %scan3A_32 = arith.constant 0 : i32
    %scan3A_33 = arith.constant 25 : i32
    %scan3A_34 = arith.addi %scan3A_32, %scan3A_33 : i32
    %scan3A_35 = arith.constant 1 : i32
    scf.for %scan3A_44 = %scan3A_32 to %scan3A_34 step %scan3A_35  : i32 {
      %mul3A_45 = arith.constant 2 : i32
      %mul3A_46 = arith.muli %scan3A_44, %mul3A_45 : i32
      %dma_wait3A_47 = arith.constant 0 : i32
      %dma_wait3A_48 = tpu.memref_slice %arg6[%mul3A_46, %dma_wait3A_47] : memref<50x128xi32, #tpu.memory_space<vmem>> -> memref<1x128xi32, #tpu.memory_space<vmem>>
      %dma_wait3A_49 = tpu.memref_squeeze %dma_wait3A_48 : memref<1x128xi32, #tpu.memory_space<vmem>> -> memref<128xi32, #tpu.memory_space<vmem>>
      %dma_wait3A_50 = arith.constant 0 : i32
      %dma_wait3A_51 = arith.constant 0 : i32
      %dma_wait3A_52 = tpu.memref_slice %arg4[%dma_wait3A_50, %dma_wait3A_51] : memref<100000x16xi32, #tpu.memory_space<hbm>> -> memref<100000x16xi32, #tpu.memory_space<hbm>>
      tpu.wait_indirect_dma semaphore(%arg13 : memref<!tpu.dma_semaphore, #tpu.memory_space<semaphore_mem>>) src(%dma_wait3A_52 : memref<100000x16xi32, #tpu.memory_space<hbm>>) dst(%arg8 : memref<128x16xi32, #tpu.memory_space<vmem>>)
      %scan3A_53 = arith.constant 0 : i32
      %scan3A_54 = arith.constant 0 : i32
      %scan3A_55 = arith.constant 128 : i32
      %scan3A_56 = arith.addi %scan3A_54, %scan3A_55 : i32
      %scan3A_57 = arith.constant 1 : i32
      scf.for %scan3A_122 = %scan3A_54 to %scan3A_56 step %scan3A_57  : i32 {
        %get3A = arith.index_cast %scan3A_122 : i32 to index
        %get3A_123 = arith.constant 0 : index
        %get3A_124 = tpu.vector_load %arg8[%get3A, %get3A_123] {strides = array<i32>} : memref<128x16xi32, #tpu.memory_space<vmem>>, vector<16xi32>,
        %mul3A_125 = arith.constant 4 : i32
        %mul3A_126 = arith.muli %scan3A_122, %mul3A_125 : i32
        %add3A_127 = vector.broadcast %mul3A_126 : i32 to vector<16xi32>
        %add3A_128 = arith.addi %add3A_127, %iota3A : vector<16xi32>
        tpu.vector_store_idx %arg10[%add3A_128], %get3A_124 : memref<524xi32, #tpu.memory_space<vmem>>[vector<16xi32>], vector<16xi32>,
      }
      %scan3A_58 = arith.constant 128 : i32
      %add3A_59 = arith.constant 2 : i32
      %add3A_60 = arith.addi %mul3A_46, %add3A_59 : i32
      %lt3A_61 = arith.constant 50 : i32
      %lt3A_62 = arith.cmpi slt, %add3A_60, %lt3A_61 : i32
      %convert_element_type3A = arith.extui %lt3A_62 : i1 to i32
      %cond3A = arith.constant 0 : i32
      %cond3A_63 = arith.cmpi ne, %convert_element_type3A, %cond3A : i32
      scf.if %cond3A_63 {
        %add3A_122 = arith.constant 2 : i32
        %add3A_123 = arith.addi %mul3A_46, %add3A_122 : i32
        %dma_start3A_124 = arith.constant 0 : i32
        %dma_start3A_125 = tpu.memref_slice %arg6[%add3A_123, %dma_start3A_124] : memref<50x128xi32, #tpu.memory_space<vmem>> -> memref<1x128xi32, #tpu.memory_space<vmem>>
        %dma_start3A_126 = tpu.memref_squeeze %dma_start3A_125 : memref<1x128xi32, #tpu.memory_space<vmem>> -> memref<128xi32, #tpu.memory_space<vmem>>
        %dma_start3A_127 = arith.constant 0 : i32
        %dma_start3A_128 = arith.constant 0 : i32
        %dma_start3A_129 = tpu.memref_slice %arg4[%dma_start3A_127, %dma_start3A_128] : memref<100000x16xi32, #tpu.memory_space<hbm>> -> memref<100000x16xi32, #tpu.memory_space<hbm>>
        tpu.enqueue_indirect_dma source(%dma_start3A_129 : memref<100000x16xi32, #tpu.memory_space<hbm>>) target(%arg8 : memref<128x16xi32, #tpu.memory_space<vmem>>) offsets(%dma_start3A_126 : memref<128xi32, #tpu.memory_space<vmem>>) semaphore(%arg13 : memref<!tpu.dma_semaphore, #tpu.memory_space<semaphore_mem>>)
      } else {
      }
      %ge3A = arith.constant 2 : i32
      %ge3A_64 = arith.cmpi sge, %mul3A_46, %ge3A : i32
      %convert_element_type3A_65 = arith.extui %ge3A_64 : i1 to i32
      %cond3A_66 = arith.constant 0 : i32
      %cond3A_67 = arith.cmpi ne, %convert_element_type3A_65, %cond3A_66 : i32
      scf.if %cond3A_67 {
        %mul3A_122 = arith.constant 128 : i32
        %mul3A_123 = arith.muli %mul3A_2, %mul3A_122 : i32
        %dma_wait3A_124 = tpu.memref_slice %arg5[%mul3A_123] : memref<26214400xf32, #tpu.memory_space<hbm>> -> memref<16384xf32, #tpu.memory_space<hbm>>
        %dma_wait3A_125 = tpu.memref_slice %arg5[%mul3A_123] : memref<26214400xf32, #tpu.memory_space<hbm>> -> memref<16384xf32, #tpu.memory_space<hbm>>
        tpu.wait_dma2 semaphore(%arg15 : memref<!tpu.dma_semaphore, #tpu.memory_space<semaphore_mem>>) src(%arg11 : memref<16384xf32, #tpu.memory_space<vmem>>) dst(%dma_wait3A_125 : memref<16384xf32, #tpu.memory_space<hbm>>)
      } else {
      }
      %scan3A_68 = arith.constant 0 : i32
      %scan3A_69 = arith.constant 0 : i32
      %scan3A_70 = arith.constant 32 : i32
      %scan3A_71 = arith.addi %scan3A_69, %scan3A_70 : i32
      %scan3A_72 = arith.constant 1 : i32
      scf.for %scan3A_122 = %scan3A_69 to %scan3A_71 step %scan3A_72  : i32 {
        %mul3A_123 = arith.constant 16 : i32
        %mul3A_124 = arith.muli %scan3A_122, %mul3A_123 : i32
        %get3A = arith.index_cast %mul3A_124 : i32 to index
        %get3A_125 = tpu.vector_load %arg10[%get3A] {strides = array<i32>} : memref<524xi32, #tpu.memory_space<vmem>>, vector<16xi32>,
        %mul3A_126 = arith.constant 32 : i32
        %mul3A_127 = vector.broadcast %mul3A_126 : i32 to vector<16xi32>
        %mul3A_128 = arith.muli %get3A_125, %mul3A_127 : vector<16xi32>
        %add3A_129 = arith.addi %mul3A_128, %mul3A_11 : vector<16xi32>
        %mul3A_130 = arith.constant 4 : i32
        %mul3A_131 = arith.muli %scan3A_122, %mul3A_130 : i32
        %mul3A_132 = arith.constant 128 : i32
        %mul3A_133 = arith.muli %mul3A_131, %mul3A_132 : i32
        %add3A_134 = vector.broadcast %mul3A_133 : i32 to vector<16xi32>
        %add3A_135 = arith.addi %add3A_134, %add3A_18 : vector<16xi32>
        %add3A_136 = arith.constant 0 : i32
        %add3A_137 = vector.broadcast %add3A_136 : i32 to vector<16xi32>
        %add3A_138 = arith.addi %add3A_129, %add3A_137 : vector<16xi32>
        %gather3A = tpu.vector_load_idx %arg7[%add3A_138] : memref<32768xf32, #tpu.memory_space<vmem>>[vector<16xi32>], vector<16xf32>,
        %add3A_139 = arith.constant 0 : i32
        %add3A_140 = vector.broadcast %add3A_139 : i32 to vector<16xi32>
        %add3A_141 = arith.addi %add3A_135, %add3A_140 : vector<16xi32>
        tpu.vector_store_idx %arg11[%add3A_141], %gather3A : memref<16384xf32, #tpu.memory_space<vmem>>[vector<16xi32>], vector<16xf32>,
        %add3A_142 = arith.constant 1 : i32
        %add3A_143 = vector.broadcast %add3A_142 : i32 to vector<16xi32>
        %add3A_144 = arith.addi %add3A_129, %add3A_143 : vector<16xi32>
        %gather3A_145 = tpu.vector_load_idx %arg7[%add3A_144] : memref<32768xf32, #tpu.memory_space<vmem>>[vector<16xi32>], vector<16xf32>,
        %add3A_146 = arith.constant 1 : i32
        %add3A_147 = vector.broadcast %add3A_146 : i32 to vector<16xi32>
        %add3A_148 = arith.addi %add3A_135, %add3A_147 : vector<16xi32>
        tpu.vector_store_idx %arg11[%add3A_148], %gather3A_145 : memref<16384xf32, #tpu.memory_space<vmem>>[vector<16xi32>], vector<16xf32>,
        %add3A_149 = arith.constant 2 : i32
        %add3A_150 = vector.broadcast %add3A_149 : i32 to vector<16xi32>
        %add3A_151 = arith.addi %add3A_129, %add3A_150 : vector<16xi32>
        %gather3A_152 = tpu.vector_load_idx %arg7[%add3A_151] : memref<32768xf32, #tpu.memory_space<vmem>>[vector<16xi32>], vector<16xf32>,
        %add3A_153 = arith.constant 2 : i32
        %add3A_154 = vector.broadcast %add3A_153 : i32 to vector<16xi32>
        %add3A_155 = arith.addi %add3A_135, %add3A_154 : vector<16xi32>
        tpu.vector_store_idx %arg11[%add3A_155], %gather3A_152 : memref<16384xf32, #tpu.memory_space<vmem>>[vector<16xi32>], vector<16xf32>,
        %add3A_156 = arith.constant 3 : i32
        %add3A_157 = vector.broadcast %add3A_156 : i32 to vector<16xi32>
        %add3A_158 = arith.addi %add3A_129, %add3A_157 : vector<16xi32>
        %gather3A_159 = tpu.vector_load_idx %arg7[%add3A_158] : memref<32768xf32, #tpu.memory_space<vmem>>[vector<16xi32>], vector<16xf32>,
        %add3A_160 = arith.constant 3 : i32
        %add3A_161 = vector.broadcast %add3A_160 : i32 to vector<16xi32>
        %add3A_162 = arith.addi %add3A_135, %add3A_161 : vector<16xi32>
        tpu.vector_store_idx %arg11[%add3A_162], %gather3A_159 : memref<16384xf32, #tpu.memory_space<vmem>>[vector<16xi32>], vector<16xf32>,
        %add3A_163 = arith.constant 4 : i32
        %add3A_164 = vector.broadcast %add3A_163 : i32 to vector<16xi32>
        %add3A_165 = arith.addi %add3A_129, %add3A_164 : vector<16xi32>
        %gather3A_166 = tpu.vector_load_idx %arg7[%add3A_165] : memref<32768xf32, #tpu.memory_space<vmem>>[vector<16xi32>], vector<16xf32>,
        %add3A_167 = arith.constant 4 : i32
        %add3A_168 = vector.broadcast %add3A_167 : i32 to vector<16xi32>
        %add3A_169 = arith.addi %add3A_135, %add3A_168 : vector<16xi32>
        tpu.vector_store_idx %arg11[%add3A_169], %gather3A_166 : memref<16384xf32, #tpu.memory_space<vmem>>[vector<16xi32>], vector<16xf32>,
        %add3A_170 = arith.constant 5 : i32
        %add3A_171 = vector.broadcast %add3A_170 : i32 to vector<16xi32>
        %add3A_172 = arith.addi %add3A_129, %add3A_171 : vector<16xi32>
        %gather3A_173 = tpu.vector_load_idx %arg7[%add3A_172] : memref<32768xf32, #tpu.memory_space<vmem>>[vector<16xi32>], vector<16xf32>,
        %add3A_174 = arith.constant 5 : i32
        %add3A_175 = vector.broadcast %add3A_174 : i32 to vector<16xi32>
        %add3A_176 = arith.addi %add3A_135, %add3A_175 : vector<16xi32>
        tpu.vector_store_idx %arg11[%add3A_176], %gather3A_173 : memref<16384xf32, #tpu.memory_space<vmem>>[vector<16xi32>], vector<16xf32>,
        %add3A_177 = arith.constant 6 : i32
        %add3A_178 = vector.broadcast %add3A_177 : i32 to vector<16xi32>
        %add3A_179 = arith.addi %add3A_129, %add3A_178 : vector<16xi32>
        %gather3A_180 = tpu.vector_load_idx %arg7[%add3A_179] : memref<32768xf32, #tpu.memory_space<vmem>>[vector<16xi32>], vector<16xf32>,
        %add3A_181 = arith.constant 6 : i32
        %add3A_182 = vector.broadcast %add3A_181 : i32 to vector<16xi32>
        %add3A_183 = arith.addi %add3A_135, %add3A_182 : vector<16xi32>
        tpu.vector_store_idx %arg11[%add3A_183], %gather3A_180 : memref<16384xf32, #tpu.memory_space<vmem>>[vector<16xi32>], vector<16xf32>,
        %add3A_184 = arith.constant 7 : i32
        %add3A_185 = vector.broadcast %add3A_184 : i32 to vector<16xi32>
        %add3A_186 = arith.addi %add3A_129, %add3A_185 : vector<16xi32>
        %gather3A_187 = tpu.vector_load_idx %arg7[%add3A_186] : memref<32768xf32, #tpu.memory_space<vmem>>[vector<16xi32>], vector<16xf32>,
        %add3A_188 = arith.constant 7 : i32
        %add3A_189 = vector.broadcast %add3A_188 : i32 to vector<16xi32>
        %add3A_190 = arith.addi %add3A_135, %add3A_189 : vector<16xi32>
        tpu.vector_store_idx %arg11[%add3A_190], %gather3A_187 : memref<16384xf32, #tpu.memory_space<vmem>>[vector<16xi32>], vector<16xf32>,
        %add3A_191 = arith.constant 8 : i32
        %add3A_192 = vector.broadcast %add3A_191 : i32 to vector<16xi32>
        %add3A_193 = arith.addi %add3A_129, %add3A_192 : vector<16xi32>
        %gather3A_194 = tpu.vector_load_idx %arg7[%add3A_193] : memref<32768xf32, #tpu.memory_space<vmem>>[vector<16xi32>], vector<16xf32>,
        %add3A_195 = arith.constant 8 : i32
        %add3A_196 = vector.broadcast %add3A_195 : i32 to vector<16xi32>
        %add3A_197 = arith.addi %add3A_135, %add3A_196 : vector<16xi32>
        tpu.vector_store_idx %arg11[%add3A_197], %gather3A_194 : memref<16384xf32, #tpu.memory_space<vmem>>[vector<16xi32>], vector<16xf32>,
        %add3A_198 = arith.constant 9 : i32
        %add3A_199 = vector.broadcast %add3A_198 : i32 to vector<16xi32>
        %add3A_200 = arith.addi %add3A_129, %add3A_199 : vector<16xi32>
        %gather3A_201 = tpu.vector_load_idx %arg7[%add3A_200] : memref<32768xf32, #tpu.memory_space<vmem>>[vector<16xi32>], vector<16xf32>,
        %add3A_202 = arith.constant 9 : i32
        %add3A_203 = vector.broadcast %add3A_202 : i32 to vector<16xi32>
        %add3A_204 = arith.addi %add3A_135, %add3A_203 : vector<16xi32>
        tpu.vector_store_idx %arg11[%add3A_204], %gather3A_201 : memref<16384xf32, #tpu.memory_space<vmem>>[vector<16xi32>], vector<16xf32>,
        %add3A_205 = arith.constant 10 : i32
        %add3A_206 = vector.broadcast %add3A_205 : i32 to vector<16xi32>
        %add3A_207 = arith.addi %add3A_129, %add3A_206 : vector<16xi32>
        %gather3A_208 = tpu.vector_load_idx %arg7[%add3A_207] : memref<32768xf32, #tpu.memory_space<vmem>>[vector<16xi32>], vector<16xf32>,
        %add3A_209 = arith.constant 10 : i32
        %add3A_210 = vector.broadcast %add3A_209 : i32 to vector<16xi32>
        %add3A_211 = arith.addi %add3A_135, %add3A_210 : vector<16xi32>
        tpu.vector_store_idx %arg11[%add3A_211], %gather3A_208 : memref<16384xf32, #tpu.memory_space<vmem>>[vector<16xi32>], vector<16xf32>,
        %add3A_212 = arith.constant 11 : i32
        %add3A_213 = vector.broadcast %add3A_212 : i32 to vector<16xi32>
        %add3A_214 = arith.addi %add3A_129, %add3A_213 : vector<16xi32>
        %gather3A_215 = tpu.vector_load_idx %arg7[%add3A_214] : memref<32768xf32, #tpu.memory_space<vmem>>[vector<16xi32>], vector<16xf32>,
        %add3A_216 = arith.constant 11 : i32
        %add3A_217 = vector.broadcast %add3A_216 : i32 to vector<16xi32>
        %add3A_218 = arith.addi %add3A_135, %add3A_217 : vector<16xi32>
        tpu.vector_store_idx %arg11[%add3A_218], %gather3A_215 : memref<16384xf32, #tpu.memory_space<vmem>>[vector<16xi32>], vector<16xf32>,
        %add3A_219 = arith.constant 12 : i32
        %add3A_220 = vector.broadcast %add3A_219 : i32 to vector<16xi32>
        %add3A_221 = arith.addi %add3A_129, %add3A_220 : vector<16xi32>
        %gather3A_222 = tpu.vector_load_idx %arg7[%add3A_221] : memref<32768xf32, #tpu.memory_space<vmem>>[vector<16xi32>], vector<16xf32>,
        %add3A_223 = arith.constant 12 : i32
        %add3A_224 = vector.broadcast %add3A_223 : i32 to vector<16xi32>
        %add3A_225 = arith.addi %add3A_135, %add3A_224 : vector<16xi32>
        tpu.vector_store_idx %arg11[%add3A_225], %gather3A_222 : memref<16384xf32, #tpu.memory_space<vmem>>[vector<16xi32>], vector<16xf32>,
        %add3A_226 = arith.constant 13 : i32
        %add3A_227 = vector.broadcast %add3A_226 : i32 to vector<16xi32>
        %add3A_228 = arith.addi %add3A_129, %add3A_227 : vector<16xi32>
        %gather3A_229 = tpu.vector_load_idx %arg7[%add3A_228] : memref<32768xf32, #tpu.memory_space<vmem>>[vector<16xi32>], vector<16xf32>,
        %add3A_230 = arith.constant 13 : i32
        %add3A_231 = vector.broadcast %add3A_230 : i32 to vector<16xi32>
        %add3A_232 = arith.addi %add3A_135, %add3A_231 : vector<16xi32>
        tpu.vector_store_idx %arg11[%add3A_232], %gather3A_229 : memref<16384xf32, #tpu.memory_space<vmem>>[vector<16xi32>], vector<16xf32>,
        %add3A_233 = arith.constant 14 : i32
        %add3A_234 = vector.broadcast %add3A_233 : i32 to vector<16xi32>
        %add3A_235 = arith.addi %add3A_129, %add3A_234 : vector<16xi32>
        %gather3A_236 = tpu.vector_load_idx %arg7[%add3A_235] : memref<32768xf32, #tpu.memory_space<vmem>>[vector<16xi32>], vector<16xf32>,
        %add3A_237 = arith.constant 14 : i32
        %add3A_238 = vector.broadcast %add3A_237 : i32 to vector<16xi32>
        %add3A_239 = arith.addi %add3A_135, %add3A_238 : vector<16xi32>
        tpu.vector_store_idx %arg11[%add3A_239], %gather3A_236 : memref<16384xf32, #tpu.memory_space<vmem>>[vector<16xi32>], vector<16xf32>,
        %add3A_240 = arith.constant 15 : i32
        %add3A_241 = vector.broadcast %add3A_240 : i32 to vector<16xi32>
        %add3A_242 = arith.addi %add3A_129, %add3A_241 : vector<16xi32>
        %gather3A_243 = tpu.vector_load_idx %arg7[%add3A_242] : memref<32768xf32, #tpu.memory_space<vmem>>[vector<16xi32>], vector<16xf32>,
        %add3A_244 = arith.constant 15 : i32
        %add3A_245 = vector.broadcast %add3A_244 : i32 to vector<16xi32>
        %add3A_246 = arith.addi %add3A_135, %add3A_245 : vector<16xi32>
        tpu.vector_store_idx %arg11[%add3A_246], %gather3A_243 : memref<16384xf32, #tpu.memory_space<vmem>>[vector<16xi32>], vector<16xf32>,
        %add3A_247 = arith.constant 16 : i32
        %add3A_248 = vector.broadcast %add3A_247 : i32 to vector<16xi32>
        %add3A_249 = arith.addi %add3A_129, %add3A_248 : vector<16xi32>
        %gather3A_250 = tpu.vector_load_idx %arg7[%add3A_249] : memref<32768xf32, #tpu.memory_space<vmem>>[vector<16xi32>], vector<16xf32>,
        %add3A_251 = arith.constant 16 : i32
        %add3A_252 = vector.broadcast %add3A_251 : i32 to vector<16xi32>
        %add3A_253 = arith.addi %add3A_135, %add3A_252 : vector<16xi32>
        tpu.vector_store_idx %arg11[%add3A_253], %gather3A_250 : memref<16384xf32, #tpu.memory_space<vmem>>[vector<16xi32>], vector<16xf32>,
        %add3A_254 = arith.constant 17 : i32
        %add3A_255 = vector.broadcast %add3A_254 : i32 to vector<16xi32>
        %add3A_256 = arith.addi %add3A_129, %add3A_255 : vector<16xi32>
        %gather3A_257 = tpu.vector_load_idx %arg7[%add3A_256] : memref<32768xf32, #tpu.memory_space<vmem>>[vector<16xi32>], vector<16xf32>,
        %add3A_258 = arith.constant 17 : i32
        %add3A_259 = vector.broadcast %add3A_258 : i32 to vector<16xi32>
        %add3A_260 = arith.addi %add3A_135, %add3A_259 : vector<16xi32>
        tpu.vector_store_idx %arg11[%add3A_260], %gather3A_257 : memref<16384xf32, #tpu.memory_space<vmem>>[vector<16xi32>], vector<16xf32>,
        %add3A_261 = arith.constant 18 : i32
        %add3A_262 = vector.broadcast %add3A_261 : i32 to vector<16xi32>
        %add3A_263 = arith.addi %add3A_129, %add3A_262 : vector<16xi32>
        %gather3A_264 = tpu.vector_load_idx %arg7[%add3A_263] : memref<32768xf32, #tpu.memory_space<vmem>>[vector<16xi32>], vector<16xf32>,
        %add3A_265 = arith.constant 18 : i32
        %add3A_266 = vector.broadcast %add3A_265 : i32 to vector<16xi32>
        %add3A_267 = arith.addi %add3A_135, %add3A_266 : vector<16xi32>
        tpu.vector_store_idx %arg11[%add3A_267], %gather3A_264 : memref<16384xf32, #tpu.memory_space<vmem>>[vector<16xi32>], vector<16xf32>,
        %add3A_268 = arith.constant 19 : i32
        %add3A_269 = vector.broadcast %add3A_268 : i32 to vector<16xi32>
        %add3A_270 = arith.addi %add3A_129, %add3A_269 : vector<16xi32>
        %gather3A_271 = tpu.vector_load_idx %arg7[%add3A_270] : memref<32768xf32, #tpu.memory_space<vmem>>[vector<16xi32>], vector<16xf32>,
        %add3A_272 = arith.constant 19 : i32
        %add3A_273 = vector.broadcast %add3A_272 : i32 to vector<16xi32>
        %add3A_274 = arith.addi %add3A_135, %add3A_273 : vector<16xi32>
        tpu.vector_store_idx %arg11[%add3A_274], %gather3A_271 : memref<16384xf32, #tpu.memory_space<vmem>>[vector<16xi32>], vector<16xf32>,
        %add3A_275 = arith.constant 20 : i32
        %add3A_276 = vector.broadcast %add3A_275 : i32 to vector<16xi32>
        %add3A_277 = arith.addi %add3A_129, %add3A_276 : vector<16xi32>
        %gather3A_278 = tpu.vector_load_idx %arg7[%add3A_277] : memref<32768xf32, #tpu.memory_space<vmem>>[vector<16xi32>], vector<16xf32>,
        %add3A_279 = arith.constant 20 : i32
        %add3A_280 = vector.broadcast %add3A_279 : i32 to vector<16xi32>
        %add3A_281 = arith.addi %add3A_135, %add3A_280 : vector<16xi32>
        tpu.vector_store_idx %arg11[%add3A_281], %gather3A_278 : memref<16384xf32, #tpu.memory_space<vmem>>[vector<16xi32>], vector<16xf32>,
        %add3A_282 = arith.constant 21 : i32
        %add3A_283 = vector.broadcast %add3A_282 : i32 to vector<16xi32>
        %add3A_284 = arith.addi %add3A_129, %add3A_283 : vector<16xi32>
        %gather3A_285 = tpu.vector_load_idx %arg7[%add3A_284] : memref<32768xf32, #tpu.memory_space<vmem>>[vector<16xi32>], vector<16xf32>,
        %add3A_286 = arith.constant 21 : i32
        %add3A_287 = vector.broadcast %add3A_286 : i32 to vector<16xi32>
        %add3A_288 = arith.addi %add3A_135, %add3A_287 : vector<16xi32>
        tpu.vector_store_idx %arg11[%add3A_288], %gather3A_285 : memref<16384xf32, #tpu.memory_space<vmem>>[vector<16xi32>], vector<16xf32>,
        %add3A_289 = arith.constant 22 : i32
        %add3A_290 = vector.broadcast %add3A_289 : i32 to vector<16xi32>
        %add3A_291 = arith.addi %add3A_129, %add3A_290 : vector<16xi32>
        %gather3A_292 = tpu.vector_load_idx %arg7[%add3A_291] : memref<32768xf32, #tpu.memory_space<vmem>>[vector<16xi32>], vector<16xf32>,
        %add3A_293 = arith.constant 22 : i32
        %add3A_294 = vector.broadcast %add3A_293 : i32 to vector<16xi32>
        %add3A_295 = arith.addi %add3A_135, %add3A_294 : vector<16xi32>
        tpu.vector_store_idx %arg11[%add3A_295], %gather3A_292 : memref<16384xf32, #tpu.memory_space<vmem>>[vector<16xi32>], vector<16xf32>,
        %add3A_296 = arith.constant 23 : i32
        %add3A_297 = vector.broadcast %add3A_296 : i32 to vector<16xi32>
        %add3A_298 = arith.addi %add3A_129, %add3A_297 : vector<16xi32>
        %gather3A_299 = tpu.vector_load_idx %arg7[%add3A_298] : memref<32768xf32, #tpu.memory_space<vmem>>[vector<16xi32>], vector<16xf32>,
        %add3A_300 = arith.constant 23 : i32
        %add3A_301 = vector.broadcast %add3A_300 : i32 to vector<16xi32>
        %add3A_302 = arith.addi %add3A_135, %add3A_301 : vector<16xi32>
        tpu.vector_store_idx %arg11[%add3A_302], %gather3A_299 : memref<16384xf32, #tpu.memory_space<vmem>>[vector<16xi32>], vector<16xf32>,
        %add3A_303 = arith.constant 24 : i32
        %add3A_304 = vector.broadcast %add3A_303 : i32 to vector<16xi32>
        %add3A_305 = arith.addi %add3A_129, %add3A_304 : vector<16xi32>
        %gather3A_306 = tpu.vector_load_idx %arg7[%add3A_305] : memref<32768xf32, #tpu.memory_space<vmem>>[vector<16xi32>], vector<16xf32>,
        %add3A_307 = arith.constant 24 : i32
        %add3A_308 = vector.broadcast %add3A_307 : i32 to vector<16xi32>
        %add3A_309 = arith.addi %add3A_135, %add3A_308 : vector<16xi32>
        tpu.vector_store_idx %arg11[%add3A_309], %gather3A_306 : memref<16384xf32, #tpu.memory_space<vmem>>[vector<16xi32>], vector<16xf32>,
        %add3A_310 = arith.constant 25 : i32
        %add3A_311 = vector.broadcast %add3A_310 : i32 to vector<16xi32>
        %add3A_312 = arith.addi %add3A_129, %add3A_311 : vector<16xi32>
        %gather3A_313 = tpu.vector_load_idx %arg7[%add3A_312] : memref<32768xf32, #tpu.memory_space<vmem>>[vector<16xi32>], vector<16xf32>,
        %add3A_314 = arith.constant 25 : i32
        %add3A_315 = vector.broadcast %add3A_314 : i32 to vector<16xi32>
        %add3A_316 = arith.addi %add3A_135, %add3A_315 : vector<16xi32>
        tpu.vector_store_idx %arg11[%add3A_316], %gather3A_313 : memref<16384xf32, #tpu.memory_space<vmem>>[vector<16xi32>], vector<16xf32>,
        %add3A_317 = arith.constant 26 : i32
        %add3A_318 = vector.broadcast %add3A_317 : i32 to vector<16xi32>
        %add3A_319 = arith.addi %add3A_129, %add3A_318 : vector<16xi32>
        %gather3A_320 = tpu.vector_load_idx %arg7[%add3A_319] : memref<32768xf32, #tpu.memory_space<vmem>>[vector<16xi32>], vector<16xf32>,
        %add3A_321 = arith.constant 26 : i32
        %add3A_322 = vector.broadcast %add3A_321 : i32 to vector<16xi32>
        %add3A_323 = arith.addi %add3A_135, %add3A_322 : vector<16xi32>
        tpu.vector_store_idx %arg11[%add3A_323], %gather3A_320 : memref<16384xf32, #tpu.memory_space<vmem>>[vector<16xi32>], vector<16xf32>,
        %add3A_324 = arith.constant 27 : i32
        %add3A_325 = vector.broadcast %add3A_324 : i32 to vector<16xi32>
        %add3A_326 = arith.addi %add3A_129, %add3A_325 : vector<16xi32>
        %gather3A_327 = tpu.vector_load_idx %arg7[%add3A_326] : memref<32768xf32, #tpu.memory_space<vmem>>[vector<16xi32>], vector<16xf32>,
        %add3A_328 = arith.constant 27 : i32
        %add3A_329 = vector.broadcast %add3A_328 : i32 to vector<16xi32>
        %add3A_330 = arith.addi %add3A_135, %add3A_329 : vector<16xi32>
        tpu.vector_store_idx %arg11[%add3A_330], %gather3A_327 : memref<16384xf32, #tpu.memory_space<vmem>>[vector<16xi32>], vector<16xf32>,
        %add3A_331 = arith.constant 28 : i32
        %add3A_332 = vector.broadcast %add3A_331 : i32 to vector<16xi32>
        %add3A_333 = arith.addi %add3A_129, %add3A_332 : vector<16xi32>
        %gather3A_334 = tpu.vector_load_idx %arg7[%add3A_333] : memref<32768xf32, #tpu.memory_space<vmem>>[vector<16xi32>], vector<16xf32>,
        %add3A_335 = arith.constant 28 : i32
        %add3A_336 = vector.broadcast %add3A_335 : i32 to vector<16xi32>
        %add3A_337 = arith.addi %add3A_135, %add3A_336 : vector<16xi32>
        tpu.vector_store_idx %arg11[%add3A_337], %gather3A_334 : memref<16384xf32, #tpu.memory_space<vmem>>[vector<16xi32>], vector<16xf32>,
        %add3A_338 = arith.constant 29 : i32
        %add3A_339 = vector.broadcast %add3A_338 : i32 to vector<16xi32>
        %add3A_340 = arith.addi %add3A_129, %add3A_339 : vector<16xi32>
        %gather3A_341 = tpu.vector_load_idx %arg7[%add3A_340] : memref<32768xf32, #tpu.memory_space<vmem>>[vector<16xi32>], vector<16xf32>,
        %add3A_342 = arith.constant 29 : i32
        %add3A_343 = vector.broadcast %add3A_342 : i32 to vector<16xi32>
        %add3A_344 = arith.addi %add3A_135, %add3A_343 : vector<16xi32>
        tpu.vector_store_idx %arg11[%add3A_344], %gather3A_341 : memref<16384xf32, #tpu.memory_space<vmem>>[vector<16xi32>], vector<16xf32>,
        %add3A_345 = arith.constant 30 : i32
        %add3A_346 = vector.broadcast %add3A_345 : i32 to vector<16xi32>
        %add3A_347 = arith.addi %add3A_129, %add3A_346 : vector<16xi32>
        %gather3A_348 = tpu.vector_load_idx %arg7[%add3A_347] : memref<32768xf32, #tpu.memory_space<vmem>>[vector<16xi32>], vector<16xf32>,
        %add3A_349 = arith.constant 30 : i32
        %add3A_350 = vector.broadcast %add3A_349 : i32 to vector<16xi32>
        %add3A_351 = arith.addi %add3A_135, %add3A_350 : vector<16xi32>
        tpu.vector_store_idx %arg11[%add3A_351], %gather3A_348 : memref<16384xf32, #tpu.memory_space<vmem>>[vector<16xi32>], vector<16xf32>,
        %add3A_352 = arith.constant 31 : i32
        %add3A_353 = vector.broadcast %add3A_352 : i32 to vector<16xi32>
        %add3A_354 = arith.addi %add3A_129, %add3A_353 : vector<16xi32>
        %gather3A_355 = tpu.vector_load_idx %arg7[%add3A_354] : memref<32768xf32, #tpu.memory_space<vmem>>[vector<16xi32>], vector<16xf32>,
        %add3A_356 = arith.constant 31 : i32
        %add3A_357 = vector.broadcast %add3A_356 : i32 to vector<16xi32>
        %add3A_358 = arith.addi %add3A_135, %add3A_357 : vector<16xi32>
        tpu.vector_store_idx %arg11[%add3A_358], %gather3A_355 : memref<16384xf32, #tpu.memory_space<vmem>>[vector<16xi32>], vector<16xf32>,
      }
      %scan3A_73 = arith.constant 32 : i32
      %mul3A_74 = arith.constant 128 : i32
      %mul3A_75 = arith.muli %mul3A_46, %mul3A_74 : i32
      %add3A_76 = arith.addi %mul3A_2, %mul3A_75 : i32
      %mul3A_77 = arith.constant 128 : i32
      %mul3A_78 = arith.muli %add3A_76, %mul3A_77 : i32
      %dma_start3A_79 = tpu.memref_slice %arg5[%mul3A_78] : memref<26214400xf32, #tpu.memory_space<hbm>> -> memref<16384xf32, #tpu.memory_space<hbm>>
      %dma_start3A_80 = tpu.memref_slice %arg5[%mul3A_78] : memref<26214400xf32, #tpu.memory_space<hbm>> -> memref<16384xf32, #tpu.memory_space<hbm>>
      tpu.enqueue_dma source(%arg11 : memref<16384xf32, #tpu.memory_space<vmem>>) target(%dma_start3A_80 : memref<16384xf32, #tpu.memory_space<hbm>>) target_semaphore(%arg15 : memref<!tpu.dma_semaphore, #tpu.memory_space<semaphore_mem>>)
      %mul3A_81 = arith.constant 2 : i32
      %mul3A_82 = arith.muli %scan3A_44, %mul3A_81 : i32
      %add3A_83 = arith.constant 1 : i32
      %add3A_84 = arith.addi %mul3A_82, %add3A_83 : i32
      %dma_wait3A_85 = arith.constant 0 : i32
      %dma_wait3A_86 = tpu.memref_slice %arg6[%add3A_84, %dma_wait3A_85] : memref<50x128xi32, #tpu.memory_space<vmem>> -> memref<1x128xi32, #tpu.memory_space<vmem>>
      %dma_wait3A_87 = tpu.memref_squeeze %dma_wait3A_86 : memref<1x128xi32, #tpu.memory_space<vmem>> -> memref<128xi32, #tpu.memory_space<vmem>>
      %dma_wait3A_88 = arith.constant 0 : i32
      %dma_wait3A_89 = arith.constant 0 : i32
      %dma_wait3A_90 = tpu.memref_slice %arg4[%dma_wait3A_88, %dma_wait3A_89] : memref<100000x16xi32, #tpu.memory_space<hbm>> -> memref<100000x16xi32, #tpu.memory_space<hbm>>
      tpu.wait_indirect_dma semaphore(%arg14 : memref<!tpu.dma_semaphore, #tpu.memory_space<semaphore_mem>>) src(%dma_wait3A_90 : memref<100000x16xi32, #tpu.memory_space<hbm>>) dst(%arg9 : memref<128x16xi32, #tpu.memory_space<vmem>>)
      %scan3A_91 = arith.constant 0 : i32
      %scan3A_92 = arith.constant 0 : i32
      %scan3A_93 = arith.constant 128 : i32
      %scan3A_94 = arith.addi %scan3A_92, %scan3A_93 : i32
      %scan3A_95 = arith.constant 1 : i32
      scf.for %scan3A_122 = %scan3A_92 to %scan3A_94 step %scan3A_95  : i32 {
        %get3A = arith.index_cast %scan3A_122 : i32 to index
        %get3A_123 = arith.constant 0 : index
        %get3A_124 = tpu.vector_load %arg9[%get3A, %get3A_123] {strides = array<i32>} : memref<128x16xi32, #tpu.memory_space<vmem>>, vector<16xi32>,
        %mul3A_125 = arith.constant 4 : i32
        %mul3A_126 = arith.muli %scan3A_122, %mul3A_125 : i32
        %add3A_127 = vector.broadcast %mul3A_126 : i32 to vector<16xi32>
        %add3A_128 = arith.addi %add3A_127, %iota3A : vector<16xi32>
        tpu.vector_store_idx %arg10[%add3A_128], %get3A_124 : memref<524xi32, #tpu.memory_space<vmem>>[vector<16xi32>], vector<16xi32>,
      }
      %scan3A_96 = arith.constant 128 : i32
      %add3A_97 = arith.constant 2 : i32
      %add3A_98 = arith.addi %add3A_84, %add3A_97 : i32
      %lt3A_99 = arith.constant 50 : i32
      %lt3A_100 = arith.cmpi slt, %add3A_98, %lt3A_99 : i32
      %convert_element_type3A_101 = arith.extui %lt3A_100 : i1 to i32
      %cond3A_102 = arith.constant 0 : i32
      %cond3A_103 = arith.cmpi ne, %convert_element_type3A_101, %cond3A_102 : i32
      scf.if %cond3A_103 {
        %add3A_122 = arith.constant 2 : i32
        %add3A_123 = arith.addi %add3A_84, %add3A_122 : i32
        %dma_start3A_124 = arith.constant 0 : i32
        %dma_start3A_125 = tpu.memref_slice %arg6[%add3A_123, %dma_start3A_124] : memref<50x128xi32, #tpu.memory_space<vmem>> -> memref<1x128xi32, #tpu.memory_space<vmem>>
        %dma_start3A_126 = tpu.memref_squeeze %dma_start3A_125 : memref<1x128xi32, #tpu.memory_space<vmem>> -> memref<128xi32, #tpu.memory_space<vmem>>
        %dma_start3A_127 = arith.constant 0 : i32
        %dma_start3A_128 = arith.constant 0 : i32
        %dma_start3A_129 = tpu.memref_slice %arg4[%dma_start3A_127, %dma_start3A_128] : memref<100000x16xi32, #tpu.memory_space<hbm>> -> memref<100000x16xi32, #tpu.memory_space<hbm>>
        tpu.enqueue_indirect_dma source(%dma_start3A_129 : memref<100000x16xi32, #tpu.memory_space<hbm>>) target(%arg9 : memref<128x16xi32, #tpu.memory_space<vmem>>) offsets(%dma_start3A_126 : memref<128xi32, #tpu.memory_space<vmem>>) semaphore(%arg14 : memref<!tpu.dma_semaphore, #tpu.memory_space<semaphore_mem>>)
      } else {
      }
      %ge3A_104 = arith.constant 2 : i32
      %ge3A_105 = arith.cmpi sge, %add3A_84, %ge3A_104 : i32
      %convert_element_type3A_106 = arith.extui %ge3A_105 : i1 to i32
      %cond3A_107 = arith.constant 0 : i32
      %cond3A_108 = arith.cmpi ne, %convert_element_type3A_106, %cond3A_107 : i32
      scf.if %cond3A_108 {
        %mul3A_122 = arith.constant 128 : i32
        %mul3A_123 = arith.muli %mul3A_2, %mul3A_122 : i32
        %dma_wait3A_124 = tpu.memref_slice %arg5[%mul3A_123] : memref<26214400xf32, #tpu.memory_space<hbm>> -> memref<16384xf32, #tpu.memory_space<hbm>>
        %dma_wait3A_125 = tpu.memref_slice %arg5[%mul3A_123] : memref<26214400xf32, #tpu.memory_space<hbm>> -> memref<16384xf32, #tpu.memory_space<hbm>>
        tpu.wait_dma2 semaphore(%arg16 : memref<!tpu.dma_semaphore, #tpu.memory_space<semaphore_mem>>) src(%arg12 : memref<16384xf32, #tpu.memory_space<vmem>>) dst(%dma_wait3A_125 : memref<16384xf32, #tpu.memory_space<hbm>>)
      } else {
      }
      %scan3A_109 = arith.constant 0 : i32
      %scan3A_110 = arith.constant 0 : i32
      %scan3A_111 = arith.constant 32 : i32
      %scan3A_112 = arith.addi %scan3A_110, %scan3A_111 : i32
      %scan3A_113 = arith.constant 1 : i32
      scf.for %scan3A_122 = %scan3A_110 to %scan3A_112 step %scan3A_113  : i32 {
        %mul3A_123 = arith.constant 16 : i32
        %mul3A_124 = arith.muli %scan3A_122, %mul3A_123 : i32
        %get3A = arith.index_cast %mul3A_124 : i32 to index
        %get3A_125 = tpu.vector_load %arg10[%get3A] {strides = array<i32>} : memref<524xi32, #tpu.memory_space<vmem>>, vector<16xi32>,
        %mul3A_126 = arith.constant 32 : i32
        %mul3A_127 = vector.broadcast %mul3A_126 : i32 to vector<16xi32>
        %mul3A_128 = arith.muli %get3A_125, %mul3A_127 : vector<16xi32>
        %add3A_129 = arith.addi %mul3A_128, %mul3A_11 : vector<16xi32>
        %mul3A_130 = arith.constant 4 : i32
        %mul3A_131 = arith.muli %scan3A_122, %mul3A_130 : i32
        %mul3A_132 = arith.constant 128 : i32
        %mul3A_133 = arith.muli %mul3A_131, %mul3A_132 : i32
        %add3A_134 = vector.broadcast %mul3A_133 : i32 to vector<16xi32>
        %add3A_135 = arith.addi %add3A_134, %add3A_18 : vector<16xi32>
        %add3A_136 = arith.constant 0 : i32
        %add3A_137 = vector.broadcast %add3A_136 : i32 to vector<16xi32>
        %add3A_138 = arith.addi %add3A_129, %add3A_137 : vector<16xi32>
        %gather3A = tpu.vector_load_idx %arg7[%add3A_138] : memref<32768xf32, #tpu.memory_space<vmem>>[vector<16xi32>], vector<16xf32>,
        %add3A_139 = arith.constant 0 : i32
        %add3A_140 = vector.broadcast %add3A_139 : i32 to vector<16xi32>
        %add3A_141 = arith.addi %add3A_135, %add3A_140 : vector<16xi32>
        tpu.vector_store_idx %arg12[%add3A_141], %gather3A : memref<16384xf32, #tpu.memory_space<vmem>>[vector<16xi32>], vector<16xf32>,
        %add3A_142 = arith.constant 1 : i32
        %add3A_143 = vector.broadcast %add3A_142 : i32 to vector<16xi32>
        %add3A_144 = arith.addi %add3A_129, %add3A_143 : vector<16xi32>
        %gather3A_145 = tpu.vector_load_idx %arg7[%add3A_144] : memref<32768xf32, #tpu.memory_space<vmem>>[vector<16xi32>], vector<16xf32>,
        %add3A_146 = arith.constant 1 : i32
        %add3A_147 = vector.broadcast %add3A_146 : i32 to vector<16xi32>
        %add3A_148 = arith.addi %add3A_135, %add3A_147 : vector<16xi32>
        tpu.vector_store_idx %arg12[%add3A_148], %gather3A_145 : memref<16384xf32, #tpu.memory_space<vmem>>[vector<16xi32>], vector<16xf32>,
        %add3A_149 = arith.constant 2 : i32
        %add3A_150 = vector.broadcast %add3A_149 : i32 to vector<16xi32>
        %add3A_151 = arith.addi %add3A_129, %add3A_150 : vector<16xi32>
        %gather3A_152 = tpu.vector_load_idx %arg7[%add3A_151] : memref<32768xf32, #tpu.memory_space<vmem>>[vector<16xi32>], vector<16xf32>,
        %add3A_153 = arith.constant 2 : i32
        %add3A_154 = vector.broadcast %add3A_153 : i32 to vector<16xi32>
        %add3A_155 = arith.addi %add3A_135, %add3A_154 : vector<16xi32>
        tpu.vector_store_idx %arg12[%add3A_155], %gather3A_152 : memref<16384xf32, #tpu.memory_space<vmem>>[vector<16xi32>], vector<16xf32>,
        %add3A_156 = arith.constant 3 : i32
        %add3A_157 = vector.broadcast %add3A_156 : i32 to vector<16xi32>
        %add3A_158 = arith.addi %add3A_129, %add3A_157 : vector<16xi32>
        %gather3A_159 = tpu.vector_load_idx %arg7[%add3A_158] : memref<32768xf32, #tpu.memory_space<vmem>>[vector<16xi32>], vector<16xf32>,
        %add3A_160 = arith.constant 3 : i32
        %add3A_161 = vector.broadcast %add3A_160 : i32 to vector<16xi32>
        %add3A_162 = arith.addi %add3A_135, %add3A_161 : vector<16xi32>
        tpu.vector_store_idx %arg12[%add3A_162], %gather3A_159 : memref<16384xf32, #tpu.memory_space<vmem>>[vector<16xi32>], vector<16xf32>,
        %add3A_163 = arith.constant 4 : i32
        %add3A_164 = vector.broadcast %add3A_163 : i32 to vector<16xi32>
        %add3A_165 = arith.addi %add3A_129, %add3A_164 : vector<16xi32>
        %gather3A_166 = tpu.vector_load_idx %arg7[%add3A_165] : memref<32768xf32, #tpu.memory_space<vmem>>[vector<16xi32>], vector<16xf32>,
        %add3A_167 = arith.constant 4 : i32
        %add3A_168 = vector.broadcast %add3A_167 : i32 to vector<16xi32>
        %add3A_169 = arith.addi %add3A_135, %add3A_168 : vector<16xi32>
        tpu.vector_store_idx %arg12[%add3A_169], %gather3A_166 : memref<16384xf32, #tpu.memory_space<vmem>>[vector<16xi32>], vector<16xf32>,
        %add3A_170 = arith.constant 5 : i32
        %add3A_171 = vector.broadcast %add3A_170 : i32 to vector<16xi32>
        %add3A_172 = arith.addi %add3A_129, %add3A_171 : vector<16xi32>
        %gather3A_173 = tpu.vector_load_idx %arg7[%add3A_172] : memref<32768xf32, #tpu.memory_space<vmem>>[vector<16xi32>], vector<16xf32>,
        %add3A_174 = arith.constant 5 : i32
        %add3A_175 = vector.broadcast %add3A_174 : i32 to vector<16xi32>
        %add3A_176 = arith.addi %add3A_135, %add3A_175 : vector<16xi32>
        tpu.vector_store_idx %arg12[%add3A_176], %gather3A_173 : memref<16384xf32, #tpu.memory_space<vmem>>[vector<16xi32>], vector<16xf32>,
        %add3A_177 = arith.constant 6 : i32
        %add3A_178 = vector.broadcast %add3A_177 : i32 to vector<16xi32>
        %add3A_179 = arith.addi %add3A_129, %add3A_178 : vector<16xi32>
        %gather3A_180 = tpu.vector_load_idx %arg7[%add3A_179] : memref<32768xf32, #tpu.memory_space<vmem>>[vector<16xi32>], vector<16xf32>,
        %add3A_181 = arith.constant 6 : i32
        %add3A_182 = vector.broadcast %add3A_181 : i32 to vector<16xi32>
        %add3A_183 = arith.addi %add3A_135, %add3A_182 : vector<16xi32>
        tpu.vector_store_idx %arg12[%add3A_183], %gather3A_180 : memref<16384xf32, #tpu.memory_space<vmem>>[vector<16xi32>], vector<16xf32>,
        %add3A_184 = arith.constant 7 : i32
        %add3A_185 = vector.broadcast %add3A_184 : i32 to vector<16xi32>
        %add3A_186 = arith.addi %add3A_129, %add3A_185 : vector<16xi32>
        %gather3A_187 = tpu.vector_load_idx %arg7[%add3A_186] : memref<32768xf32, #tpu.memory_space<vmem>>[vector<16xi32>], vector<16xf32>,
        %add3A_188 = arith.constant 7 : i32
        %add3A_189 = vector.broadcast %add3A_188 : i32 to vector<16xi32>
        %add3A_190 = arith.addi %add3A_135, %add3A_189 : vector<16xi32>
        tpu.vector_store_idx %arg12[%add3A_190], %gather3A_187 : memref<16384xf32, #tpu.memory_space<vmem>>[vector<16xi32>], vector<16xf32>,
        %add3A_191 = arith.constant 8 : i32
        %add3A_192 = vector.broadcast %add3A_191 : i32 to vector<16xi32>
        %add3A_193 = arith.addi %add3A_129, %add3A_192 : vector<16xi32>
        %gather3A_194 = tpu.vector_load_idx %arg7[%add3A_193] : memref<32768xf32, #tpu.memory_space<vmem>>[vector<16xi32>], vector<16xf32>,
        %add3A_195 = arith.constant 8 : i32
        %add3A_196 = vector.broadcast %add3A_195 : i32 to vector<16xi32>
        %add3A_197 = arith.addi %add3A_135, %add3A_196 : vector<16xi32>
        tpu.vector_store_idx %arg12[%add3A_197], %gather3A_194 : memref<16384xf32, #tpu.memory_space<vmem>>[vector<16xi32>], vector<16xf32>,
        %add3A_198 = arith.constant 9 : i32
        %add3A_199 = vector.broadcast %add3A_198 : i32 to vector<16xi32>
        %add3A_200 = arith.addi %add3A_129, %add3A_199 : vector<16xi32>
        %gather3A_201 = tpu.vector_load_idx %arg7[%add3A_200] : memref<32768xf32, #tpu.memory_space<vmem>>[vector<16xi32>], vector<16xf32>,
        %add3A_202 = arith.constant 9 : i32
        %add3A_203 = vector.broadcast %add3A_202 : i32 to vector<16xi32>
        %add3A_204 = arith.addi %add3A_135, %add3A_203 : vector<16xi32>
        tpu.vector_store_idx %arg12[%add3A_204], %gather3A_201 : memref<16384xf32, #tpu.memory_space<vmem>>[vector<16xi32>], vector<16xf32>,
        %add3A_205 = arith.constant 10 : i32
        %add3A_206 = vector.broadcast %add3A_205 : i32 to vector<16xi32>
        %add3A_207 = arith.addi %add3A_129, %add3A_206 : vector<16xi32>
        %gather3A_208 = tpu.vector_load_idx %arg7[%add3A_207] : memref<32768xf32, #tpu.memory_space<vmem>>[vector<16xi32>], vector<16xf32>,
        %add3A_209 = arith.constant 10 : i32
        %add3A_210 = vector.broadcast %add3A_209 : i32 to vector<16xi32>
        %add3A_211 = arith.addi %add3A_135, %add3A_210 : vector<16xi32>
        tpu.vector_store_idx %arg12[%add3A_211], %gather3A_208 : memref<16384xf32, #tpu.memory_space<vmem>>[vector<16xi32>], vector<16xf32>,
        %add3A_212 = arith.constant 11 : i32
        %add3A_213 = vector.broadcast %add3A_212 : i32 to vector<16xi32>
        %add3A_214 = arith.addi %add3A_129, %add3A_213 : vector<16xi32>
        %gather3A_215 = tpu.vector_load_idx %arg7[%add3A_214] : memref<32768xf32, #tpu.memory_space<vmem>>[vector<16xi32>], vector<16xf32>,
        %add3A_216 = arith.constant 11 : i32
        %add3A_217 = vector.broadcast %add3A_216 : i32 to vector<16xi32>
        %add3A_218 = arith.addi %add3A_135, %add3A_217 : vector<16xi32>
        tpu.vector_store_idx %arg12[%add3A_218], %gather3A_215 : memref<16384xf32, #tpu.memory_space<vmem>>[vector<16xi32>], vector<16xf32>,
        %add3A_219 = arith.constant 12 : i32
        %add3A_220 = vector.broadcast %add3A_219 : i32 to vector<16xi32>
        %add3A_221 = arith.addi %add3A_129, %add3A_220 : vector<16xi32>
        %gather3A_222 = tpu.vector_load_idx %arg7[%add3A_221] : memref<32768xf32, #tpu.memory_space<vmem>>[vector<16xi32>], vector<16xf32>,
        %add3A_223 = arith.constant 12 : i32
        %add3A_224 = vector.broadcast %add3A_223 : i32 to vector<16xi32>
        %add3A_225 = arith.addi %add3A_135, %add3A_224 : vector<16xi32>
        tpu.vector_store_idx %arg12[%add3A_225], %gather3A_222 : memref<16384xf32, #tpu.memory_space<vmem>>[vector<16xi32>], vector<16xf32>,
        %add3A_226 = arith.constant 13 : i32
        %add3A_227 = vector.broadcast %add3A_226 : i32 to vector<16xi32>
        %add3A_228 = arith.addi %add3A_129, %add3A_227 : vector<16xi32>
        %gather3A_229 = tpu.vector_load_idx %arg7[%add3A_228] : memref<32768xf32, #tpu.memory_space<vmem>>[vector<16xi32>], vector<16xf32>,
        %add3A_230 = arith.constant 13 : i32
        %add3A_231 = vector.broadcast %add3A_230 : i32 to vector<16xi32>
        %add3A_232 = arith.addi %add3A_135, %add3A_231 : vector<16xi32>
        tpu.vector_store_idx %arg12[%add3A_232], %gather3A_229 : memref<16384xf32, #tpu.memory_space<vmem>>[vector<16xi32>], vector<16xf32>,
        %add3A_233 = arith.constant 14 : i32
        %add3A_234 = vector.broadcast %add3A_233 : i32 to vector<16xi32>
        %add3A_235 = arith.addi %add3A_129, %add3A_234 : vector<16xi32>
        %gather3A_236 = tpu.vector_load_idx %arg7[%add3A_235] : memref<32768xf32, #tpu.memory_space<vmem>>[vector<16xi32>], vector<16xf32>,
        %add3A_237 = arith.constant 14 : i32
        %add3A_238 = vector.broadcast %add3A_237 : i32 to vector<16xi32>
        %add3A_239 = arith.addi %add3A_135, %add3A_238 : vector<16xi32>
        tpu.vector_store_idx %arg12[%add3A_239], %gather3A_236 : memref<16384xf32, #tpu.memory_space<vmem>>[vector<16xi32>], vector<16xf32>,
        %add3A_240 = arith.constant 15 : i32
        %add3A_241 = vector.broadcast %add3A_240 : i32 to vector<16xi32>
        %add3A_242 = arith.addi %add3A_129, %add3A_241 : vector<16xi32>
        %gather3A_243 = tpu.vector_load_idx %arg7[%add3A_242] : memref<32768xf32, #tpu.memory_space<vmem>>[vector<16xi32>], vector<16xf32>,
        %add3A_244 = arith.constant 15 : i32
        %add3A_245 = vector.broadcast %add3A_244 : i32 to vector<16xi32>
        %add3A_246 = arith.addi %add3A_135, %add3A_245 : vector<16xi32>
        tpu.vector_store_idx %arg12[%add3A_246], %gather3A_243 : memref<16384xf32, #tpu.memory_space<vmem>>[vector<16xi32>], vector<16xf32>,
        %add3A_247 = arith.constant 16 : i32
        %add3A_248 = vector.broadcast %add3A_247 : i32 to vector<16xi32>
        %add3A_249 = arith.addi %add3A_129, %add3A_248 : vector<16xi32>
        %gather3A_250 = tpu.vector_load_idx %arg7[%add3A_249] : memref<32768xf32, #tpu.memory_space<vmem>>[vector<16xi32>], vector<16xf32>,
        %add3A_251 = arith.constant 16 : i32
        %add3A_252 = vector.broadcast %add3A_251 : i32 to vector<16xi32>
        %add3A_253 = arith.addi %add3A_135, %add3A_252 : vector<16xi32>
        tpu.vector_store_idx %arg12[%add3A_253], %gather3A_250 : memref<16384xf32, #tpu.memory_space<vmem>>[vector<16xi32>], vector<16xf32>,
        %add3A_254 = arith.constant 17 : i32
        %add3A_255 = vector.broadcast %add3A_254 : i32 to vector<16xi32>
        %add3A_256 = arith.addi %add3A_129, %add3A_255 : vector<16xi32>
        %gather3A_257 = tpu.vector_load_idx %arg7[%add3A_256] : memref<32768xf32, #tpu.memory_space<vmem>>[vector<16xi32>], vector<16xf32>,
        %add3A_258 = arith.constant 17 : i32
        %add3A_259 = vector.broadcast %add3A_258 : i32 to vector<16xi32>
        %add3A_260 = arith.addi %add3A_135, %add3A_259 : vector<16xi32>
        tpu.vector_store_idx %arg12[%add3A_260], %gather3A_257 : memref<16384xf32, #tpu.memory_space<vmem>>[vector<16xi32>], vector<16xf32>,
        %add3A_261 = arith.constant 18 : i32
        %add3A_262 = vector.broadcast %add3A_261 : i32 to vector<16xi32>
        %add3A_263 = arith.addi %add3A_129, %add3A_262 : vector<16xi32>
        %gather3A_264 = tpu.vector_load_idx %arg7[%add3A_263] : memref<32768xf32, #tpu.memory_space<vmem>>[vector<16xi32>], vector<16xf32>,
        %add3A_265 = arith.constant 18 : i32
        %add3A_266 = vector.broadcast %add3A_265 : i32 to vector<16xi32>
        %add3A_267 = arith.addi %add3A_135, %add3A_266 : vector<16xi32>
        tpu.vector_store_idx %arg12[%add3A_267], %gather3A_264 : memref<16384xf32, #tpu.memory_space<vmem>>[vector<16xi32>], vector<16xf32>,
        %add3A_268 = arith.constant 19 : i32
        %add3A_269 = vector.broadcast %add3A_268 : i32 to vector<16xi32>
        %add3A_270 = arith.addi %add3A_129, %add3A_269 : vector<16xi32>
        %gather3A_271 = tpu.vector_load_idx %arg7[%add3A_270] : memref<32768xf32, #tpu.memory_space<vmem>>[vector<16xi32>], vector<16xf32>,
        %add3A_272 = arith.constant 19 : i32
        %add3A_273 = vector.broadcast %add3A_272 : i32 to vector<16xi32>
        %add3A_274 = arith.addi %add3A_135, %add3A_273 : vector<16xi32>
        tpu.vector_store_idx %arg12[%add3A_274], %gather3A_271 : memref<16384xf32, #tpu.memory_space<vmem>>[vector<16xi32>], vector<16xf32>,
        %add3A_275 = arith.constant 20 : i32
        %add3A_276 = vector.broadcast %add3A_275 : i32 to vector<16xi32>
        %add3A_277 = arith.addi %add3A_129, %add3A_276 : vector<16xi32>
        %gather3A_278 = tpu.vector_load_idx %arg7[%add3A_277] : memref<32768xf32, #tpu.memory_space<vmem>>[vector<16xi32>], vector<16xf32>,
        %add3A_279 = arith.constant 20 : i32
        %add3A_280 = vector.broadcast %add3A_279 : i32 to vector<16xi32>
        %add3A_281 = arith.addi %add3A_135, %add3A_280 : vector<16xi32>
        tpu.vector_store_idx %arg12[%add3A_281], %gather3A_278 : memref<16384xf32, #tpu.memory_space<vmem>>[vector<16xi32>], vector<16xf32>,
        %add3A_282 = arith.constant 21 : i32
        %add3A_283 = vector.broadcast %add3A_282 : i32 to vector<16xi32>
        %add3A_284 = arith.addi %add3A_129, %add3A_283 : vector<16xi32>
        %gather3A_285 = tpu.vector_load_idx %arg7[%add3A_284] : memref<32768xf32, #tpu.memory_space<vmem>>[vector<16xi32>], vector<16xf32>,
        %add3A_286 = arith.constant 21 : i32
        %add3A_287 = vector.broadcast %add3A_286 : i32 to vector<16xi32>
        %add3A_288 = arith.addi %add3A_135, %add3A_287 : vector<16xi32>
        tpu.vector_store_idx %arg12[%add3A_288], %gather3A_285 : memref<16384xf32, #tpu.memory_space<vmem>>[vector<16xi32>], vector<16xf32>,
        %add3A_289 = arith.constant 22 : i32
        %add3A_290 = vector.broadcast %add3A_289 : i32 to vector<16xi32>
        %add3A_291 = arith.addi %add3A_129, %add3A_290 : vector<16xi32>
        %gather3A_292 = tpu.vector_load_idx %arg7[%add3A_291] : memref<32768xf32, #tpu.memory_space<vmem>>[vector<16xi32>], vector<16xf32>,
        %add3A_293 = arith.constant 22 : i32
        %add3A_294 = vector.broadcast %add3A_293 : i32 to vector<16xi32>
        %add3A_295 = arith.addi %add3A_135, %add3A_294 : vector<16xi32>
        tpu.vector_store_idx %arg12[%add3A_295], %gather3A_292 : memref<16384xf32, #tpu.memory_space<vmem>>[vector<16xi32>], vector<16xf32>,
        %add3A_296 = arith.constant 23 : i32
        %add3A_297 = vector.broadcast %add3A_296 : i32 to vector<16xi32>
        %add3A_298 = arith.addi %add3A_129, %add3A_297 : vector<16xi32>
        %gather3A_299 = tpu.vector_load_idx %arg7[%add3A_298] : memref<32768xf32, #tpu.memory_space<vmem>>[vector<16xi32>], vector<16xf32>,
        %add3A_300 = arith.constant 23 : i32
        %add3A_301 = vector.broadcast %add3A_300 : i32 to vector<16xi32>
        %add3A_302 = arith.addi %add3A_135, %add3A_301 : vector<16xi32>
        tpu.vector_store_idx %arg12[%add3A_302], %gather3A_299 : memref<16384xf32, #tpu.memory_space<vmem>>[vector<16xi32>], vector<16xf32>,
        %add3A_303 = arith.constant 24 : i32
        %add3A_304 = vector.broadcast %add3A_303 : i32 to vector<16xi32>
        %add3A_305 = arith.addi %add3A_129, %add3A_304 : vector<16xi32>
        %gather3A_306 = tpu.vector_load_idx %arg7[%add3A_305] : memref<32768xf32, #tpu.memory_space<vmem>>[vector<16xi32>], vector<16xf32>,
        %add3A_307 = arith.constant 24 : i32
        %add3A_308 = vector.broadcast %add3A_307 : i32 to vector<16xi32>
        %add3A_309 = arith.addi %add3A_135, %add3A_308 : vector<16xi32>
        tpu.vector_store_idx %arg12[%add3A_309], %gather3A_306 : memref<16384xf32, #tpu.memory_space<vmem>>[vector<16xi32>], vector<16xf32>,
        %add3A_310 = arith.constant 25 : i32
        %add3A_311 = vector.broadcast %add3A_310 : i32 to vector<16xi32>
        %add3A_312 = arith.addi %add3A_129, %add3A_311 : vector<16xi32>
        %gather3A_313 = tpu.vector_load_idx %arg7[%add3A_312] : memref<32768xf32, #tpu.memory_space<vmem>>[vector<16xi32>], vector<16xf32>,
        %add3A_314 = arith.constant 25 : i32
        %add3A_315 = vector.broadcast %add3A_314 : i32 to vector<16xi32>
        %add3A_316 = arith.addi %add3A_135, %add3A_315 : vector<16xi32>
        tpu.vector_store_idx %arg12[%add3A_316], %gather3A_313 : memref<16384xf32, #tpu.memory_space<vmem>>[vector<16xi32>], vector<16xf32>,
        %add3A_317 = arith.constant 26 : i32
        %add3A_318 = vector.broadcast %add3A_317 : i32 to vector<16xi32>
        %add3A_319 = arith.addi %add3A_129, %add3A_318 : vector<16xi32>
        %gather3A_320 = tpu.vector_load_idx %arg7[%add3A_319] : memref<32768xf32, #tpu.memory_space<vmem>>[vector<16xi32>], vector<16xf32>,
        %add3A_321 = arith.constant 26 : i32
        %add3A_322 = vector.broadcast %add3A_321 : i32 to vector<16xi32>
        %add3A_323 = arith.addi %add3A_135, %add3A_322 : vector<16xi32>
        tpu.vector_store_idx %arg12[%add3A_323], %gather3A_320 : memref<16384xf32, #tpu.memory_space<vmem>>[vector<16xi32>], vector<16xf32>,
        %add3A_324 = arith.constant 27 : i32
        %add3A_325 = vector.broadcast %add3A_324 : i32 to vector<16xi32>
        %add3A_326 = arith.addi %add3A_129, %add3A_325 : vector<16xi32>
        %gather3A_327 = tpu.vector_load_idx %arg7[%add3A_326] : memref<32768xf32, #tpu.memory_space<vmem>>[vector<16xi32>], vector<16xf32>,
        %add3A_328 = arith.constant 27 : i32
        %add3A_329 = vector.broadcast %add3A_328 : i32 to vector<16xi32>
        %add3A_330 = arith.addi %add3A_135, %add3A_329 : vector<16xi32>
        tpu.vector_store_idx %arg12[%add3A_330], %gather3A_327 : memref<16384xf32, #tpu.memory_space<vmem>>[vector<16xi32>], vector<16xf32>,
        %add3A_331 = arith.constant 28 : i32
        %add3A_332 = vector.broadcast %add3A_331 : i32 to vector<16xi32>
        %add3A_333 = arith.addi %add3A_129, %add3A_332 : vector<16xi32>
        %gather3A_334 = tpu.vector_load_idx %arg7[%add3A_333] : memref<32768xf32, #tpu.memory_space<vmem>>[vector<16xi32>], vector<16xf32>,
        %add3A_335 = arith.constant 28 : i32
        %add3A_336 = vector.broadcast %add3A_335 : i32 to vector<16xi32>
        %add3A_337 = arith.addi %add3A_135, %add3A_336 : vector<16xi32>
        tpu.vector_store_idx %arg12[%add3A_337], %gather3A_334 : memref<16384xf32, #tpu.memory_space<vmem>>[vector<16xi32>], vector<16xf32>,
        %add3A_338 = arith.constant 29 : i32
        %add3A_339 = vector.broadcast %add3A_338 : i32 to vector<16xi32>
        %add3A_340 = arith.addi %add3A_129, %add3A_339 : vector<16xi32>
        %gather3A_341 = tpu.vector_load_idx %arg7[%add3A_340] : memref<32768xf32, #tpu.memory_space<vmem>>[vector<16xi32>], vector<16xf32>,
        %add3A_342 = arith.constant 29 : i32
        %add3A_343 = vector.broadcast %add3A_342 : i32 to vector<16xi32>
        %add3A_344 = arith.addi %add3A_135, %add3A_343 : vector<16xi32>
        tpu.vector_store_idx %arg12[%add3A_344], %gather3A_341 : memref<16384xf32, #tpu.memory_space<vmem>>[vector<16xi32>], vector<16xf32>,
        %add3A_345 = arith.constant 30 : i32
        %add3A_346 = vector.broadcast %add3A_345 : i32 to vector<16xi32>
        %add3A_347 = arith.addi %add3A_129, %add3A_346 : vector<16xi32>
        %gather3A_348 = tpu.vector_load_idx %arg7[%add3A_347] : memref<32768xf32, #tpu.memory_space<vmem>>[vector<16xi32>], vector<16xf32>,
        %add3A_349 = arith.constant 30 : i32
        %add3A_350 = vector.broadcast %add3A_349 : i32 to vector<16xi32>
        %add3A_351 = arith.addi %add3A_135, %add3A_350 : vector<16xi32>
        tpu.vector_store_idx %arg12[%add3A_351], %gather3A_348 : memref<16384xf32, #tpu.memory_space<vmem>>[vector<16xi32>], vector<16xf32>,
        %add3A_352 = arith.constant 31 : i32
        %add3A_353 = vector.broadcast %add3A_352 : i32 to vector<16xi32>
        %add3A_354 = arith.addi %add3A_129, %add3A_353 : vector<16xi32>
        %gather3A_355 = tpu.vector_load_idx %arg7[%add3A_354] : memref<32768xf32, #tpu.memory_space<vmem>>[vector<16xi32>], vector<16xf32>,
        %add3A_356 = arith.constant 31 : i32
        %add3A_357 = vector.broadcast %add3A_356 : i32 to vector<16xi32>
        %add3A_358 = arith.addi %add3A_135, %add3A_357 : vector<16xi32>
        tpu.vector_store_idx %arg12[%add3A_358], %gather3A_355 : memref<16384xf32, #tpu.memory_space<vmem>>[vector<16xi32>], vector<16xf32>,
      }
      %scan3A_114 = arith.constant 32 : i32
      %mul3A_115 = arith.constant 128 : i32
      %mul3A_116 = arith.muli %add3A_84, %mul3A_115 : i32
      %add3A_117 = arith.addi %mul3A_2, %mul3A_116 : i32
      %mul3A_118 = arith.constant 128 : i32
      %mul3A_119 = arith.muli %add3A_117, %mul3A_118 : i32
      %dma_start3A_120 = tpu.memref_slice %arg5[%mul3A_119] : memref<26214400xf32, #tpu.memory_space<hbm>> -> memref<16384xf32, #tpu.memory_space<hbm>>
      %dma_start3A_121 = tpu.memref_slice %arg5[%mul3A_119] : memref<26214400xf32, #tpu.memory_space<hbm>> -> memref<16384xf32, #tpu.memory_space<hbm>>
      tpu.enqueue_dma source(%arg12 : memref<16384xf32, #tpu.memory_space<vmem>>) target(%dma_start3A_121 : memref<16384xf32, #tpu.memory_space<hbm>>) target_semaphore(%arg16 : memref<!tpu.dma_semaphore, #tpu.memory_space<semaphore_mem>>)
    }
    %scan3A_36 = arith.constant 25 : i32
    %mul3A_37 = arith.constant 128 : i32
    %mul3A_38 = arith.muli %mul3A_2, %mul3A_37 : i32
    %dma_wait3A = tpu.memref_slice %arg5[%mul3A_38] : memref<26214400xf32, #tpu.memory_space<hbm>> -> memref<16384xf32, #tpu.memory_space<hbm>>
    %dma_wait3A_39 = tpu.memref_slice %arg5[%mul3A_38] : memref<26214400xf32, #tpu.memory_space<hbm>> -> memref<16384xf32, #tpu.memory_space<hbm>>
    tpu.wait_dma2 semaphore(%arg15 : memref<!tpu.dma_semaphore, #tpu.memory_space<semaphore_mem>>) src(%arg11 : memref<16384xf32, #tpu.memory_space<vmem>>) dst(%dma_wait3A_39 : memref<16384xf32, #tpu.memory_space<hbm>>)
    %mul3A_40 = arith.constant 128 : i32
    %mul3A_41 = arith.muli %mul3A_2, %mul3A_40 : i32
    %dma_wait3A_42 = tpu.memref_slice %arg5[%mul3A_41] : memref<26214400xf32, #tpu.memory_space<hbm>> -> memref<16384xf32, #tpu.memory_space<hbm>>
    %dma_wait3A_43 = tpu.memref_slice %arg5[%mul3A_41] : memref<26214400xf32, #tpu.memory_space<hbm>> -> memref<16384xf32, #tpu.memory_space<hbm>>
    tpu.wait_dma2 semaphore(%arg16 : memref<!tpu.dma_semaphore, #tpu.memory_space<semaphore_mem>>) src(%arg12 : memref<16384xf32, #tpu.memory_space<vmem>>) dst(%dma_wait3A_43 : memref<16384xf32, #tpu.memory_space<hbm>>)
    return
  }
}

</mosaic_0001>

<sc_bundles>
// kernel: _pq_embedding.3.cloned.1.call-start
scs
__scs_entry_jumppad:
0x0: {  	(pc) =	sbr.rel $0x88, $3  }
0x1: {  	(tag) =	ssettag $0x0;
	lr =	simm.s32 $0x1  }
0x2: {  	[smem:$0x3F9E] =	sst lr;
	_ =	strace $0xD0000000  }
0x3: {  	_ = 	snop  }
0x4: {  	_ = 	snop  }
0x5: {  	_ = 	snop  }
0x6: {  	_ = 	snop  }
0x7: {  	_ = 	snop  }
__scs_overlays_trampoline_lowered:
0x8: {  	[smem:$0x3FAD] =	sst s0  }
0x9: {  	[smem:$0x3FAE] =	sst s1  }
0xa: {  	[smem:$0x3FAF] =	sst s2  }
0xb: {  	[smem:$0x3FB0] =	sst s3  }
0xc: {  	[smem:$0x3FB1] =	sst s4  }
0xd: {  	[smem:$0x3FB2] =	sst s5  }
0xe: {  	[smem:$0x3FB3] =	sst s6  }
0xf: {  	[smem:$0x3FB4] =	sst s7  }
0x10: {  	[smem:$0x3FB5] =	sst s8  }
0x11: {  	[smem:$0x3FB6] =	sst s9;
	s0 =	simm.s32 @!p0 $0x0  }
0x12: {  	s1 =	sld [smem:$0x3F9C];
	s0 =	simm.s32 @p0 $0x1  }
0x13: {  	[smem:$0x3FB7] =	sst s0;
	s0 =	simm.s32 @!p1 $0x0  }
0x14: {  	s2 =	sld [smem:$0x3F9B];
	s0 =	simm.s32 @p1 $0x1  }
0x15: {  	[smem:$0x3FB8] =	sst s0;
	s0 =	simm.s32 @!p2 $0x0  }
0x16: {  	s3 =	sld [smem:$0x3FDB];
	s0 =	simm.s32 @p2 $0x1  }
0x17: {  	s4 =	simm.s32 $0x1BF5;
	[smem:$0x3FBA] =	sst s0  }
0x18: {  	s0 =	sld [smem:$0x3F9D];
	_ =	swait.ge [sflag:s4], $0x0  }
0x19: {  	s7 =	sld [smem:$0x3F9E]  }
0x1a: {  	s8 =	sadd.s32 $0xFFFFE003, lr  }
0x1b: {  	s9 =	sadd.s32 $0xFFFFFEF7, lr;
	s5 =	simm.s32 $0xFFFFFFFF;
	p2 =	slt.u32 s8, $0xFFFFF086  }
0x1c: {  	p1 =	slt.u32 s9, $0xF7A;
	s5 =	simm.s32 @!p2 $0x0  }
0x1d: {  	s5 =	simm.s32 @p1 $0x1;
	p0 =	seq.s32 s7, s2  }
0x1e: {  	s7 =	smul.u32 @!p0 $0xF7A, s2;
	p2 =	seq.s32 @!p0 s5, $0x0  }
0x1f: {  	s9 =	smul.u32 $0xF7A, s1;
	s8 =	simm.s32 @!p0 $0x1BF5;
	p2 =	por !p2, p0  }
0x20: {  	[sflag:s8] =	ssyncset.s32 @!p0 $0xFFFFF086;
	s6 =	sadd.s32 @!p0 s3, s7;
	s7 =	simm.s32 @!p0 $0x108  }
0x21: {  	s3 =	sadd.s32 s3, s9;
	s6 =	sadd.s32 @!p0 $0x88, s6;
	s7 =	simm.s32 @p2 $0x1082  }
0x22: {  	[simem:s7], [sflag:s8] =	dma.local @!p0 [hbm:s6], $0xF7A  }
0x23: {  	s9 =	sor.u32 $0xD0000000, s2;
	s6 =	simm.s32 $0x108;
	_ =	swait.ge @!p0 [sflag:s8], $0x0  }
0x24: {  	s3 =	sadd.s32 $0x88, s3;
	s6 =	simm.s32 @!p1 $0x1082;
	[sflag:s4] =	ssyncset.s32 $0xFFFFF086  }
0x25: {  	[simem:s6], [sflag:s4] =	dma.local [hbm:s3], $0xF7A  }
0x26: {  	[smem:$0x3F9E] =	sst s1;
	(tag) =	ssettag s2;
	_ =	strace s9  }
0x27: {  	s1 =	sld [smem:$0x3FAE]  }
0x28: {  	s2 =	sld [smem:$0x3FAF]  }
0x29: {  	s4 =	sld [smem:$0x3FB1]  }
0x2a: {  	p0 =	seq.s32 s5, $0x0;
	s5 =	sld [smem:$0x3FB2]  }
0x2b: {  	s6 =	sld [smem:$0x3FB3]  }
0x2c: {  	s7 =	sld [smem:$0x3FB4]  }
0x2d: {  	s3 =	simm.s32 $0x108;
	s8 =	sld [smem:$0x3FB5]  }
0x2e: {  	s3 =	simm.s32 @!p0 $0x1082;
	s9 =	sld [smem:$0x3FB6]  }
0x2f: {  	lr =	sadd.s32 s0, s3;
	s0 =	sld [smem:$0x3FAD]  }
0x30: {  	s3 =	sld [smem:$0x3FB0]  }
0x31: {  	[smem:$0x3FB9] =	sst s10  }
0x32: {  	s10 =	sld [smem:$0x3FB7];
	_ =	sdelay $0x3  }
0x33: {  	p0 =	seq.s32 s10, $0x1;
	s10 =	sld [smem:$0x3FB9];
	_ =	sdelay $0x3  }
0x34: {  	[smem:$0x3FB9] =	sst s10  }
0x35: {  	s10 =	sld [smem:$0x3FB8];
	_ =	sdelay $0x3  }
0x36: {  	p1 =	seq.s32 s10, $0x1;
	s10 =	sld [smem:$0x3FB9];
	_ =	sdelay $0x3  }
0x37: {  	[smem:$0x3FB9] =	sst s10  }
0x38: {  	s10 =	sld [smem:$0x3FBA]  }
0x39: {  	_ = 	snop;
	(pc) =	sbr.ind lr, $3  }
0x3a: {  	_ = 	snop  }
0x3b: {  	_ = 	snop  }
0x3c: {  	p2 =	seq.s32 s10, $0x1;
	s10 =	sld [smem:$0x3FB9]  }
0x3d: {  	_ =	shalt  }
0x3e: {  	_ =	shalt  }
0x3f: {  	_ =	shalt  }
0x40: {  	_ =	shalt  }
0x41: {  	_ =	shalt  }
0x42: {  	_ =	shalt  }
0x43: {  	_ =	shalt  }
0x44: {  	_ =	shalt  }
0x45: {  	_ =	shalt  }
0x46: {  	_ =	shalt  }
0x47: {  	_ =	shalt  }
0x48: {  	_ =	shalt  }
0x49: {  	_ =	shalt  }
0x4a: {  	_ =	shalt  }
0x4b: {  	_ =	shalt  }
0x4c: {  	_ =	shalt  }
0x4d: {  	_ =	shalt  }
0x4e: {  	_ =	shalt  }
0x4f: {  	_ =	shalt  }
0x50: {  	_ =	shalt  }
0x51: {  	_ =	shalt  }
0x52: {  	_ =	shalt  }
0x53: {  	_ =	shalt  }
0x54: {  	_ =	shalt  }
0x55: {  	_ =	shalt  }
0x56: {  	_ =	shalt  }
0x57: {  	_ =	shalt  }
0x58: {  	_ =	shalt  }
0x59: {  	_ =	shalt  }
0x5a: {  	_ =	shalt  }
0x5b: {  	_ =	shalt  }
0x5c: {  	_ =	shalt  }
0x5d: {  	_ =	shalt  }
0x5e: {  	_ =	shalt  }
0x5f: {  	_ =	shalt  }
0x60: {  	_ =	shalt  }
0x61: {  	_ =	shalt  }
0x62: {  	_ =	shalt  }
0x63: {  	_ =	shalt  }
0x64: {  	_ =	shalt  }
0x65: {  	_ =	shalt  }
0x66: {  	_ =	shalt  }
0x67: {  	_ =	shalt  }
0x68: {  	_ =	shalt  }
0x69: {  	_ =	shalt  }
0x6a: {  	_ =	shalt  }
0x6b: {  	_ =	shalt  }
0x6c: {  	_ =	shalt  }
0x6d: {  	_ =	shalt  }
0x6e: {  	_ =	shalt  }
0x6f: {  	_ =	shalt  }
0x70: {  	_ =	shalt  }
0x71: {  	_ =	shalt  }
0x72: {  	_ =	shalt  }
0x73: {  	_ =	shalt  }
0x74: {  	_ =	shalt  }
0x75: {  	_ =	shalt  }
0x76: {  	_ =	shalt  }
0x77: {  	_ =	shalt  }
0x78: {  	_ =	shalt  }
0x79: {  	_ =	shalt  }
0x7a: {  	_ =	shalt  }
0x7b: {  	_ =	shalt  }
0x7c: {  	_ =	shalt  }
0x7d: {  	_ =	shalt  }
0x7e: {  	_ =	shalt  }
0x7f: {  	_ =	shalt  }
0x80: {  	_ =	shalt  }
0x81: {  	_ =	shalt  }
0x82: {  	_ =	shalt  }
0x83: {  	_ =	shalt  }
0x84: {  	_ =	shalt  }
0x85: {  	_ =	shalt  }
0x86: {  	_ =	shalt  }
0x87: {  	_ =	shalt  }
.Lfunc_end0:
.L_simem_size_0:
called_computation_lowered:
.L_overlay_start_0:
0x88: {  	s2 =	sld [smem:$0x3FD9]  }
0x89: {  	s3 =	sld [smem:$0x3FFE];
	_ =	sdelay $0x1  }
0x8a: {  	s1 =	srdreg.scid  }
0x8b: {  	s0 =	sand.u32 $0x1, s1  }
0x8c: {  	s17 =	sshll.u32 s0, $0xA;
	s2 =	sadd.s32 s3, s2  }
0x8d: {  	s2 =	sadd.s32 s2, s17  }
0x8e: {  	[smem:$0x3FC5] =	sst s2  }
0x8f: {  	_ = 	snop  }
0x90: {  	s2 =	sld [smem:$0x3FC8]  }
0x91: {  	s18 =	sld [smem:$0x3FD0];
	(tm) =	ssettm $0x1  }
0x92: {  	s4 =	sld [smem:$0x3FFB];
	_ =	sdelay $0x3  }
0x93: {  	_ =	strace s4  }
0x94: {  	s4 =	sld [smem:$0x3FFC];
	_ =	sdelay $0x3  }
0x95: {  	_ =	strace s4  }
0x96: {  	s4 =	sld [smem:$0x3FFD];
	_ =	sdelay $0x3  }
0x97: {  	_ =	strace s4  }
0x98: {  	_ =	strace $0x8FFFFFFF  }
0x99: {  	s19 =	sld [smem:$0x3FDB];
	_ =	sdelay $0x1  }
0x9a: {  	s5 =	simm.s32 $_scs_section_size  }
0x9b: {  	s6 =	simm.s32 $_size__tile_overlayer_lowered;
	s7 =	simm.s32 $_tile_overlayer_lowered  }
0x9c: {  	s22 =	simm.s32 $0x1BFF;
	s21 =	sshll.u32 s7, $0x1;
	s4 =	sadd.s32 s5, s19  }
0x9d: {  	s8 =	simm.s32 $0x0;
	s20 =	sshll.u32 s6, $0x1;
	s6 =	sadd.s32 s21, s4  }
0x9e: {  	[timem:s8], [sflag:s22] =	dma.local [hbm:s6], s20  }
0x9f: {  	_ =	swait.ge [sflag:s22], s20  }
0xa0: {  	s5 =	ssub.s32 $0x0, s20;
	[sflag:s22] =	ssyncset.done $0x0  }
0xa1: {  	[sflag:s22] =	ssyncadd.s32 s5;
	_ =	sdelay $0x1  }
0xa2: {  	s23 =	simm.s32 $0x1B8B  }
0xa3: {  	_ =	swait.ge [sflag:s23], $0x1  }
0xa4: {  	[sflag:s23] =	ssyncset.done $0x0  }
0xa5: {  	s25 =	simm.s32 $0x1B8E;
	s24 =	sld [smem:$0x3FFE];
	[sflag:s23] =	ssyncadd.s32 $0xFFFFFFFF  }
0xa6: {  	s26 =	simm.s32 $execute0_lowered;
	[smem:$0x3FD2] =	sst s25  }
0xa7: {  	s6 =	sshll.u32 s26, $0x1;
	_ =	strace $0x80000046;
	[dreg:$0x1] =	wrdreg $0xFFFFFFFF  }
0xa8: {  	s28 =	simm.s32 $_size_execute0_lowered;
	s4 =	sadd.s32 s4, s6;
	[dreg:$0x0] =	wrdreg $0x0  }
0xa9: {  	s6 =	sshll.u32 s28, $0x1;
	[dreg:$0x2] =	wrdreg s4  }
0xaa: {  	[dreg:$0x3] =	wrdreg s6  }
0xab: {  	[dreg:$0x4] =	wrdreg $0xC0  }
0xac: {  	_ =	task [dreg:s8], $0x5FFFF  }
0xad: {  	[dreg:$0x1] =	wrdreg $0xFFFFFFFF  }
0xae: {  	[dreg:$0x0] =	wrdreg $0x60  }
0xaf: {  	[dreg:$0x2] =	wrdreg s24  }
0xb0: {  	[dreg:$0x3] =	wrdreg s2  }
0xb1: {  	[dreg:$0x4] =	wrdreg s18  }
0xb2: {  	[dreg:$0x5] =	wrdreg $0x9  }
0xb3: {  	_ =	task.clear_ibuf [dreg:s8], $0x6FFFF;
	_ =	strace $0x90000046  }
0xb4: {  	s29 =	simm.s32 $0x9;
	_ =	strace $0x80000048  }
0xb5: {  	_ =	swait.ge [sflag:s29], $0x1  }
0xb6: {  	[sflag:s29] =	ssyncadd.s32 $0xFFFFFFFF  }
0xb7: {  	_ =	strace $0x90000048  }
0xb8: {  	_ =	sfence  }
0xb9: {  	s30 =	sld [smem:$0x0];
	_ =	sdelay $0x2  }
0xba: {  	s31 =	sshll.u32 s1, $0xD;
	s1 =	sshrl.u32 s1, $0x2  }
0xbb: {  	s3 =	sand.u32 $0x4000, s31;
	s1 =	sadd.s32 s1, s30  }
0xbc: {  	s0 =	sor.u32 s3, s0;
	s1 =	sshll.u32 s1, $0x11  }
0xbd: {  	s0 =	sor.u32 s1, s0  }
0xbe: {  	s0 =	sadd.s32 $0x8F2B, s0  }
0xbf: {  	[sflag:s0] =	ssyncadd.remote.s32 $0x1  }
0xc0: {  	_ =	sfence.sel $0xFFFF  }
0xc1: {  	[dreg:$0x0] =	wrdreg $0xFFFFFFFF;
	(pc) =	sbr.abs _section_cstart, $3  }
0xc2: {  	[dreg:$0x1] =	wrdreg $0xFFFFFFFF  }
0xc3: {  	_ =	task.clear_ibuf [dreg:s8], $0x2FFFF;
	_ =	strace $0x9FFFFFFF  }
0xc4: {  	(tm) =	ssettm $0x7FFFFFFF  }
0xc5: {  	_ =	shalt  }
tec
execute0_lowered:
.L_overlay_start_1:
0x0: {  	(tag) =	ssettag $0x1  }
0x1: {  	v2 =	vlaneseq.u32  }
0x2: {  	v6 =	vmul.u32 $0x20, v2  }
0x3: {  	v0 =	vand.u32 $0x3, v2  }
0x4: {  	v5 =	vmul.u32 $0x2000, v0;
	v0 =	vor.u32 $0x1, v6  }
0x5: {  	v12 =	vor.u32 $0x3, v6;
	v14 =	vor.u32 $0x4, v6;
	v16 =	vor.u32 $0x5, v6  }
0x6: {  	v18 =	vor.u32 $0x6, v6;
	v20 =	vor.u32 $0x7, v6;
	v22 =	vor.u32 $0x8, v6  }
0x7: {  	v24 =	vor.u32 $0x9, v6;
	v26 =	vor.u32 $0xA, v6;
	v28 =	vor.u32 $0xB, v6  }
0x8: {  	v30 =	vor.u32 $0xC, v6;
	v32 =	vor.u32 $0xD, v6;
	v34 =	vor.u32 $0xE, v6  }
0x9: {  	v36 =	vor.u32 $0xF, v6;
	v38 =	vor.u32 $0x10, v6;
	v40 =	vor.u32 $0x11, v6  }
0xa: {  	v42 =	vor.u32 $0x12, v6;
	v44 =	vor.u32 $0x13, v6;
	v46 =	vor.u32 $0x14, v6  }
0xb: {  	s5 =	rddreg [dreg:$0x0];
	v48 =	vor.u32 $0x15, v6;
	v50 =	vor.u32 $0x16, v6;
	v52 =	vor.u32 $0x17, v6  }
0xc: {  	s0 =	rddreg [dreg:$0x1];
	v54 =	vor.u32 $0x18, v6;
	v56 =	vor.u32 $0x19, v6;
	v58 =	vor.u32 $0x1A, v6  }
0xd: {  	s2 =	srdreg.scid;
	s1 =	stileid.u32;
	v60 =	vor.u32 $0x1B, v6;
	v62 =	vor.u32 $0x1C, v6;
	v4 =	vor.u32 $0x1D, v6  }
0xe: {  	s3 =	rddreg [dreg:$0x2];
	s4 =	simm.s32 $0x0;
	s11 =	simm.s32 $0x80;
	v7 =	vor.u32 $0x1, v5;
	[tilespmem:$0x1FF60] =	vst v0;
	v1 =	vor.u32 $0x2, v5;
	v0 =	vor.u32 $0x2, v6  }
0xf: {  	s12 =	simm.s32 $0x9900;
	s13 =	simm.s32 $0xA100;
	s14 =	simm.s32 $0x1900;
	v11 =	vor.u32 $0x3, v5;
	v13 =	vor.u32 $0x4, v5;
	v15 =	vor.u32 $0x5, v5  }
0x10: {  	s15 =	simm.s32 $0x1;
	s16 =	simm.s32 $0xA900;
	[smem:$0x7FF] =	sst s4;
	v17 =	vor.u32 $0x6, v5;
	v19 =	vor.u32 $0x7, v5;
	[tilespmem:$0x1FF70] =	vst v0;
	v0 =	vor.u32 $0x1E, v6  }
0x11: {  	s6 =	sand.u32 $0x1, s2;
	s2 =	rddreg [dreg:$0x3];
	v21 =	vor.u32 $0x8, v5;
	v23 =	vor.u32 $0x9, v5;
	v8 =	vor.u32 $0x1E, v5;
	_ =	strace $0x80000047;
	[tilespmem:$0x1FF80] =	vst v0  }
0x12: {  	s17 =	simm.s32 $0xAB10;
	s18 =	simm.s32 $0x2;
	s7 =	sshll.u32 s1, $0x1;
	v25 =	vor.u32 $0xA, v5;
	v27 =	vor.u32 $0xB, v5;
	v9 =	vor.u32 $0x1F, v5;
	[tilespmem:$0x1FF90] =	vst v8  }
0x13: {  	s19 =	simm.s32 $0xEB10;
	s20 =	simm.s32 $0x3;
	s7 =	sor.u32 s6, s7;
	v29 =	vor.u32 $0xC, v5;
	v31 =	vor.u32 $0xD, v5;
	v33 =	vor.u32 $0xE, v5;
	[tilespmem:$0x1FFA0] =	vst v9  }
0x14: {  	s21 =	simm.s32 $0x4;
	s6 =	ssub.s32 $0x2, s6;
	s8 =	smul.u32 $0x320, s7;
	v35 =	vor.u32 $0xF, v5;
	v37 =	vor.u32 $0x10, v5;
	v63 =	vor.u32 $0x1D, v5;
	[tilespmem:$0x1FFB0] =	vst v4  }
0x15: {  	s22 =	simm.s32 $0x0;
	s9 =	sshrl.u32 s6, $0x1;
	s10 =	smul.u32 $0x19000, s7;
	v39 =	vor.u32 $0x11, v5;
	v41 =	vor.u32 $0x12, v5;
	v43 =	vor.u32 $0x13, v5;
	[tilespmem:$0x1FFC0] =	vst v63  }
0x16: {  	s7 =	smul.u32 $0xC8000, s7;
	v45 =	vor.u32 $0x14, v5;
	s9 =	ssub.s32 s6, s9;
	v47 =	vor.u32 $0x15, v5;
	v49 =	vor.u32 $0x16, v5;
	s8 =	sadd.s32 s8, s5;
	[tilespmem:$0x1FFD0] =	vst v62  }
0x17: {  	v51 =	vor.u32 $0x17, v5;
	v53 =	vor.u32 $0x18, v5;
	v61 =	vor.u32 $0x1C, v5;
	s5 =	sadd.s32 $0x6800, s5;
	s10 =	sadd.s32 s10, s3;
	s6 =	sadd.s32 $0x400, s8;
	[tilespmem:$0x1FFE0] =	vst v1  }
0x18: {  	v55 =	vor.u32 $0x19, v5;
	v57 =	vor.u32 $0x1A, v5;
	v59 =	vor.u32 $0x1B, v5;
	s8 =	smax.u32 s9, $0x1;
	s9 =	sadd.s32 $0x800, s10;
	s10 =	simm.s32 $0x5;
	[tilespmem:$0x1FFF0] =	vst v61  }
.LBB2_1:
0x19: {  	[tilespmem:s4], [sflag:$0x5] =	stream.linear.gather [hbm4b:s6+s4], $0x1900, $0x38;
	[tilespmem:$0x12B10] =	vst v63  }
0x1a: {  	_ =	swait.ge [sflag:s10], $0x1900  }
0x1b: {  	[sflag:s10] =	ssyncset.done $0x0  }
0x1c: {  	[sflag:s10] =	ssyncadd.s32 $0xFFFFE700  }
0x1d: {  	[tilespmem:s12], [sflag:$0x1] =	stream.indirect.gather [hbm4b:s5+s11], $0x10, s4, s11, $0xb8;
	[tilespmem:$0x12B10] =	vst v63  }
0x1e: {  	_ = 	snop  }
0x1f: {  	[tilespmem:s13], [sflag:$0x2] =	stream.indirect.gather [hbm4b:s5+s11], $0x10, s11, s11, $0xb8;
	[tilespmem:$0x12B10] =	vst v63  }
0x20: {  	_ = 	snop  }
0x21: {  	[tilespmem:s14], [sflag:$0x5] =	stream.linear.gather [hbm4b:s0+s4], $0x8000, $0x38;
	[tilespmem:$0x12B10] =	vst v63  }
0x22: {  	_ =	swait.ge [sflag:s10], $0x8000  }
0x23: {  	[sflag:s10] =	ssyncset.done $0x0  }
0x24: {  	s23 =	simm.s32 $0x0;
	[sflag:s10] =	ssyncadd.s32 $0xFFFF8000  }
.LBB2_2:
0x25: {  	_ =	swait.ge [sflag:s15], $0x800  }
0x26: {  	[sflag:s15] =	ssyncset.done $0x0  }
0x27: {  	s26 =	simm.s32 $0x0;
	s24 =	simm.s32 $0x9900;
	[sflag:s15] =	ssyncadd.s32 $0xFFFFF800  }
0x28: {  	v10 =	vmov v1;
	s25 =	simm.s32 $0x4;
	v1 =	vadd.s32 s26, v2;
	v0 =	vld [tilespmem:s24+$0x0]  }
.LBB2_3:
0x29: {  	p0 =	sne.s32 s25, $0x1FC  }
.Ltmp0:
0x2a: {  	_ = 	snop;
	(pc) =	sbr.rel @p0 .LBB2_3-.Ltmp0, $3  }
0x2b: {  	_ =	sdelay $0x1  }
0x2c: {  	s24 =	sadd.s32 $0x10, s24;
	s26 =	smov.u32 s25;
	s25 =	sadd.s32 $0x4, s25;
	[tilespmem:v1+s16+$0x0] =	vst.idx.msk $0xffff, v0  }
0x2d: {  	v1 =	vadd.s32 s26, v2;
	v0 =	vld [tilespmem:s24+$0x0]  }
0x2e: {  	_ = 	snop  }
0x2f: {  	p0 =	seq.s32 s23, $0x18  }
0x30: {  	s24 =	sshll.u32 @!p0 s23, $0x8  }
0x31: {  	s26 =	simm.s32 @!p0 $0x80;
	p1 =	seq.s32 @!p0 s23, $0x0;
	s24 =	sand.u32 @!p0 $0x3FFFFF00, s24  }
0x32: {  	s28 =	simm.s32 @!p0 $0x9900;
	p1 =	por p0, !p1;
	s25 =	sadd.s32 @!p0 $0x100, s24;
	[tilespmem:v1+s16+$0x0] =	vst.idx.msk $0xffff, v0  }
0x33: {  	[tilespmem:s28], [sflag:$0x1] =	stream.indirect.gather @!p0 [hbm4b:s5+s26], $0x10, s25, s26, $0xb8;
	[tilespmem:$0x12B10] =	vst v63  }
0x34: {  	_ =	swait.ge @p1 [sflag:s20], $0x4000  }
0x35: {  	[sflag:s20] =	ssyncset.done @p1 $0x0  }
0x36: {  	s25 =	simm.s32 $0xA900;
	[sflag:s20] =	ssyncadd.s32 @p1 $0xFFFFC000  }
0x37: {  	v0 =	vld [tilespmem:s25+$0x0];
	_ =	sdelay $0x4  }
0x38: {  	v0 =	vshll.u32 v0, $0x5  }
0x39: {  	v1 =	vadd.s32 v5, v0;
	_ =	sdelay $0x4  }
0x3a: {  	v1 =	vld.idx.msk [tilespmem:v1+s14+$0x0], $0xffff;
	_ =	sdelay $0x4  }
0x3b: {  	s31 =	simm.s32 $0x0;
	[tilespmem:$0x1FF10] =	vst v1  }
0x3c: {  	v2 =	vor.u32 s31, v6;
	v3 =	vld [tilespmem:$0x1FF10]  }
0x3d: {  	v1 =	vadd.s32 v7, v0;
	_ =	sdelay $0x3  }
0x3e: {  	[tilespmem:v2+s17+$0x0] =	vst.idx.msk $0xffff, v3  }
0x3f: {  	v1 =	vld.idx.msk [tilespmem:v1+s14+$0x0], $0xffff;
	_ =	sdelay $0x4  }
0x40: {  	[tilespmem:$0x1FF20] =	vst v1;
	v1 =	vld [tilespmem:$0x1FF60];
	_ =	sdelay $0x4  }
0x41: {  	v2 =	vor.u32 s31, v1;
	v1 =	vadd.s32 v10, v0;
	v10 =	vld [tilespmem:$0x1FF20];
	_ =	sdelay $0x4  }
0x42: {  	[tilespmem:v2+s17+$0x0] =	vst.idx.msk $0xffff, v10  }
0x43: {  	v1 =	vld.idx.msk [tilespmem:v1+s14+$0x0], $0xffff  }
0x44: {  	v10 =	vld [tilespmem:$0x1FF70];
	_ =	sdelay $0x3  }
0x45: {  	[tilespmem:$0x1FF30] =	vst v1  }
0x46: {  	v2 =	vor.u32 s31, v10;
	v3 =	vld [tilespmem:$0x1FF30]  }
0x47: {  	v1 =	vadd.s32 v11, v0;
	_ =	sdelay $0x3  }
0x48: {  	[tilespmem:v2+s17+$0x0] =	vst.idx.msk $0xffff, v3  }
0x49: {  	v2 =	vor.u32 s31, v12;
	v3 =	vld.idx.msk [tilespmem:v1+s14+$0x0], $0xffff  }
0x4a: {  	v1 =	vadd.s32 v13, v0;
	_ =	sdelay $0x3  }
0x4b: {  	[tilespmem:v2+s17+$0x0] =	vst.idx.msk $0xffff, v3  }
0x4c: {  	v2 =	vor.u32 s31, v14;
	v3 =	vld.idx.msk [tilespmem:v1+s14+$0x0], $0xffff  }
0x4d: {  	v1 =	vadd.s32 v15, v0;
	_ =	sdelay $0x3  }
0x4e: {  	[tilespmem:v2+s17+$0x0] =	vst.idx.msk $0xffff, v3  }
0x4f: {  	v2 =	vor.u32 s31, v16;
	v3 =	vld.idx.msk [tilespmem:v1+s14+$0x0], $0xffff  }
0x50: {  	v1 =	vadd.s32 v17, v0;
	_ =	sdelay $0x3  }
0x51: {  	[tilespmem:v2+s17+$0x0] =	vst.idx.msk $0xffff, v3  }
0x52: {  	v2 =	vor.u32 s31, v18;
	v3 =	vld.idx.msk [tilespmem:v1+s14+$0x0], $0xffff  }
0x53: {  	v1 =	vadd.s32 v19, v0;
	_ =	sdelay $0x3  }
0x54: {  	[tilespmem:v2+s17+$0x0] =	vst.idx.msk $0xffff, v3  }
0x55: {  	v2 =	vor.u32 s31, v20;
	v3 =	vld.idx.msk [tilespmem:v1+s14+$0x0], $0xffff  }
0x56: {  	v1 =	vadd.s32 v21, v0;
	_ =	sdelay $0x3  }
0x57: {  	[tilespmem:v2+s17+$0x0] =	vst.idx.msk $0xffff, v3  }
0x58: {  	v2 =	vor.u32 s31, v22;
	v3 =	vld.idx.msk [tilespmem:v1+s14+$0x0], $0xffff  }
0x59: {  	v1 =	vadd.s32 v23, v0;
	_ =	sdelay $0x3  }
0x5a: {  	[tilespmem:v2+s17+$0x0] =	vst.idx.msk $0xffff, v3  }
0x5b: {  	v2 =	vor.u32 s31, v24;
	v3 =	vld.idx.msk [tilespmem:v1+s14+$0x0], $0xffff  }
0x5c: {  	v1 =	vadd.s32 v25, v0;
	_ =	sdelay $0x3  }
0x5d: {  	[tilespmem:v2+s17+$0x0] =	vst.idx.msk $0xffff, v3  }
0x5e: {  	v2 =	vor.u32 s31, v26;
	v3 =	vld.idx.msk [tilespmem:v1+s14+$0x0], $0xffff  }
0x5f: {  	v1 =	vadd.s32 v27, v0;
	_ =	sdelay $0x3  }
0x60: {  	[tilespmem:v2+s17+$0x0] =	vst.idx.msk $0xffff, v3  }
0x61: {  	v2 =	vor.u32 s31, v28;
	v3 =	vld.idx.msk [tilespmem:v1+s14+$0x0], $0xffff  }
0x62: {  	v1 =	vadd.s32 v29, v0;
	_ =	sdelay $0x3  }
0x63: {  	[tilespmem:v2+s17+$0x0] =	vst.idx.msk $0xffff, v3  }
0x64: {  	v2 =	vor.u32 s31, v30;
	v3 =	vld.idx.msk [tilespmem:v1+s14+$0x0], $0xffff  }
0x65: {  	v1 =	vadd.s32 v31, v0;
	_ =	sdelay $0x3  }
0x66: {  	[tilespmem:v2+s17+$0x0] =	vst.idx.msk $0xffff, v3  }
0x67: {  	v2 =	vor.u32 s31, v32;
	v3 =	vld.idx.msk [tilespmem:v1+s14+$0x0], $0xffff  }
0x68: {  	v1 =	vadd.s32 v33, v0;
	_ =	sdelay $0x3  }
0x69: {  	[tilespmem:v2+s17+$0x0] =	vst.idx.msk $0xffff, v3  }
0x6a: {  	v2 =	vor.u32 s31, v34;
	v3 =	vld.idx.msk [tilespmem:v1+s14+$0x0], $0xffff  }
0x6b: {  	v1 =	vadd.s32 v35, v0;
	_ =	sdelay $0x3  }
0x6c: {  	[tilespmem:v2+s17+$0x0] =	vst.idx.msk $0xffff, v3  }
0x6d: {  	v2 =	vor.u32 s31, v36;
	v3 =	vld.idx.msk [tilespmem:v1+s14+$0x0], $0xffff  }
0x6e: {  	v1 =	vadd.s32 v37, v0;
	_ =	sdelay $0x3  }
0x6f: {  	[tilespmem:v2+s17+$0x0] =	vst.idx.msk $0xffff, v3  }
0x70: {  	v2 =	vor.u32 s31, v38;
	v3 =	vld.idx.msk [tilespmem:v1+s14+$0x0], $0xffff  }
0x71: {  	v1 =	vadd.s32 v39, v0;
	_ =	sdelay $0x3  }
0x72: {  	[tilespmem:v2+s17+$0x0] =	vst.idx.msk $0xffff, v3  }
0x73: {  	v2 =	vor.u32 s31, v40;
	v3 =	vld.idx.msk [tilespmem:v1+s14+$0x0], $0xffff  }
0x74: {  	v1 =	vadd.s32 v41, v0;
	_ =	sdelay $0x3  }
0x75: {  	[tilespmem:v2+s17+$0x0] =	vst.idx.msk $0xffff, v3  }
0x76: {  	v2 =	vor.u32 s31, v42;
	v3 =	vld.idx.msk [tilespmem:v1+s14+$0x0], $0xffff  }
0x77: {  	v1 =	vadd.s32 v43, v0;
	_ =	sdelay $0x3  }
0x78: {  	[tilespmem:v2+s17+$0x0] =	vst.idx.msk $0xffff, v3  }
0x79: {  	v2 =	vor.u32 s31, v44;
	v3 =	vld.idx.msk [tilespmem:v1+s14+$0x0], $0xffff  }
0x7a: {  	v1 =	vadd.s32 v45, v0;
	_ =	sdelay $0x3  }
0x7b: {  	[tilespmem:v2+s17+$0x0] =	vst.idx.msk $0xffff, v3  }
0x7c: {  	v2 =	vor.u32 s31, v46;
	v3 =	vld.idx.msk [tilespmem:v1+s14+$0x0], $0xffff  }
0x7d: {  	v1 =	vadd.s32 v47, v0;
	_ =	sdelay $0x3  }
0x7e: {  	[tilespmem:v2+s17+$0x0] =	vst.idx.msk $0xffff, v3  }
0x7f: {  	v2 =	vor.u32 s31, v48;
	v3 =	vld.idx.msk [tilespmem:v1+s14+$0x0], $0xffff  }
0x80: {  	v1 =	vadd.s32 v49, v0;
	_ =	sdelay $0x3  }
0x81: {  	[tilespmem:v2+s17+$0x0] =	vst.idx.msk $0xffff, v3  }
0x82: {  	v2 =	vor.u32 s31, v50;
	v3 =	vld.idx.msk [tilespmem:v1+s14+$0x0], $0xffff  }
0x83: {  	v1 =	vadd.s32 v51, v0;
	_ =	sdelay $0x3  }
0x84: {  	[tilespmem:v2+s17+$0x0] =	vst.idx.msk $0xffff, v3  }
0x85: {  	v2 =	vor.u32 s31, v52;
	v3 =	vld.idx.msk [tilespmem:v1+s14+$0x0], $0xffff  }
0x86: {  	v1 =	vadd.s32 v53, v0;
	_ =	sdelay $0x3  }
0x87: {  	[tilespmem:v2+s17+$0x0] =	vst.idx.msk $0xffff, v3  }
0x88: {  	v2 =	vor.u32 s31, v54;
	v3 =	vld.idx.msk [tilespmem:v1+s14+$0x0], $0xffff  }
0x89: {  	v1 =	vadd.s32 v55, v0;
	_ =	sdelay $0x3  }
0x8a: {  	[tilespmem:v2+s17+$0x0] =	vst.idx.msk $0xffff, v3  }
0x8b: {  	v2 =	vor.u32 s31, v56;
	v3 =	vld.idx.msk [tilespmem:v1+s14+$0x0], $0xffff  }
0x8c: {  	v1 =	vadd.s32 v57, v0;
	_ =	sdelay $0x3  }
0x8d: {  	[tilespmem:v2+s17+$0x0] =	vst.idx.msk $0xffff, v3  }
0x8e: {  	v2 =	vor.u32 s31, v58;
	v3 =	vld.idx.msk [tilespmem:v1+s14+$0x0], $0xffff  }
0x8f: {  	v1 =	vadd.s32 v59, v0;
	_ =	sdelay $0x3  }
0x90: {  	[tilespmem:v2+s17+$0x0] =	vst.idx.msk $0xffff, v3  }
0x91: {  	v2 =	vor.u32 s31, v60;
	v3 =	vld.idx.msk [tilespmem:v1+s14+$0x0], $0xffff  }
0x92: {  	v1 =	vadd.s32 v61, v0;
	_ =	sdelay $0x3  }
0x93: {  	[tilespmem:v2+s17+$0x0] =	vst.idx.msk $0xffff, v3  }
0x94: {  	v2 =	vor.u32 s31, v62;
	v3 =	vld.idx.msk [tilespmem:v1+s14+$0x0], $0xffff  }
0x95: {  	v1 =	vadd.s32 v63, v0;
	_ =	sdelay $0x3  }
0x96: {  	[tilespmem:v2+s17+$0x0] =	vst.idx.msk $0xffff, v3  }
0x97: {  	v2 =	vor.u32 s31, v4;
	v3 =	vld.idx.msk [tilespmem:v1+s14+$0x0], $0xffff;
	_ =	sdelay $0x4  }
0x98: {  	v1 =	vadd.s32 v8, v0;
	[tilespmem:v2+s17+$0x0] =	vst.idx.msk $0xffff, v3;
	v2 =	vld [tilespmem:$0x1FF80];
	_ =	sdelay $0x4  }
0x99: {  	v1 =	vld.idx.msk [tilespmem:v1+s14+$0x0], $0xffff;
	v2 =	vor.u32 s31, v2;
	_ =	sdelay $0x2  }
0x9a: {  	v0 =	vadd.s32 v9, v0  }
0x9b: {  	[tilespmem:$0x1FF40] =	vst v0  }
0x9c: {  	[tilespmem:v2+s17+$0x0] =	vst.idx.msk $0xffff, v1;
	v1 =	vld [tilespmem:$0x1FF40];
	_ =	sdelay $0x4  }
0x9d: {  	v0 =	vor.u32 $0x1F, v6;
	_ =	sdelay $0x2  }
0x9e: {  	s26 =	simm.s32 $0x200;
	[tilespmem:$0x1FF50] =	vst v0;
	v2 =	vor.u32 s31, v0;
	v0 =	vmov v4;
	v1 =	vld.idx.msk [tilespmem:v1+s14+$0x0], $0xffff  }
.LBB2_5:
0x9f: {  	_ =	sdelay $0x3  }
0xa0: {  	s25 =	sadd.s32 $0x10, s25;
	[tilespmem:v2+s17+$0x0] =	vst.idx.msk $0xffff, v1  }
0xa1: {  	v1 =	vld [tilespmem:s25+$0x0];
	_ =	sdelay $0x4  }
0xa2: {  	v1 =	vshll.u32 v1, $0x5  }
0xa3: {  	v2 =	vadd.s32 v5, v1;
	_ =	sdelay $0x3  }
0xa4: {  	s28 =	smov.u32 s26  }
0xa5: {  	v3 =	vor.u32 s28, v6;
	v2 =	vld.idx.msk [tilespmem:v2+s14+$0x0], $0xffff  }
0xa6: {  	v4 =	vadd.s32 v7, v1;
	_ =	sdelay $0x3  }
0xa7: {  	[tilespmem:v3+s17+$0x0] =	vst.idx.msk $0xffff, v2;
	v3 =	vld [tilespmem:$0x1FF60]  }
0xa8: {  	v2 =	vld.idx.msk [tilespmem:v4+s14+$0x0], $0xffff  }
0xa9: {  	v4 =	vld [tilespmem:$0x1FFE0];
	_ =	sdelay $0x3  }
0xaa: {  	v3 =	vor.u32 s28, v3  }
0xab: {  	v4 =	vadd.s32 v4, v1;
	_ =	sdelay $0x3  }
0xac: {  	[tilespmem:v3+s17+$0x0] =	vst.idx.msk $0xffff, v2  }
0xad: {  	v3 =	vor.u32 s28, v10;
	v2 =	vld.idx.msk [tilespmem:v4+s14+$0x0], $0xffff  }
0xae: {  	v4 =	vadd.s32 v11, v1;
	_ =	sdelay $0x3  }
0xaf: {  	[tilespmem:v3+s17+$0x0] =	vst.idx.msk $0xffff, v2  }
0xb0: {  	v3 =	vor.u32 s28, v12;
	v2 =	vld.idx.msk [tilespmem:v4+s14+$0x0], $0xffff  }
0xb1: {  	v4 =	vadd.s32 v13, v1;
	_ =	sdelay $0x3  }
0xb2: {  	[tilespmem:v3+s17+$0x0] =	vst.idx.msk $0xffff, v2  }
0xb3: {  	v3 =	vor.u32 s28, v14;
	v2 =	vld.idx.msk [tilespmem:v4+s14+$0x0], $0xffff  }
0xb4: {  	v4 =	vadd.s32 v15, v1;
	_ =	sdelay $0x3  }
0xb5: {  	[tilespmem:v3+s17+$0x0] =	vst.idx.msk $0xffff, v2  }
0xb6: {  	v3 =	vor.u32 s28, v16;
	v2 =	vld.idx.msk [tilespmem:v4+s14+$0x0], $0xffff  }
0xb7: {  	v4 =	vadd.s32 v17, v1;
	_ =	sdelay $0x3  }
0xb8: {  	[tilespmem:v3+s17+$0x0] =	vst.idx.msk $0xffff, v2  }
0xb9: {  	v3 =	vor.u32 s28, v18;
	v2 =	vld.idx.msk [tilespmem:v4+s14+$0x0], $0xffff  }
0xba: {  	v4 =	vadd.s32 v19, v1;
	_ =	sdelay $0x3  }
0xbb: {  	[tilespmem:v3+s17+$0x0] =	vst.idx.msk $0xffff, v2  }
0xbc: {  	v3 =	vor.u32 s28, v20;
	v2 =	vld.idx.msk [tilespmem:v4+s14+$0x0], $0xffff  }
0xbd: {  	v4 =	vadd.s32 v21, v1;
	_ =	sdelay $0x3  }
0xbe: {  	[tilespmem:v3+s17+$0x0] =	vst.idx.msk $0xffff, v2  }
0xbf: {  	v3 =	vor.u32 s28, v22;
	v2 =	vld.idx.msk [tilespmem:v4+s14+$0x0], $0xffff  }
0xc0: {  	v4 =	vadd.s32 v23, v1;
	_ =	sdelay $0x3  }
0xc1: {  	[tilespmem:v3+s17+$0x0] =	vst.idx.msk $0xffff, v2  }
0xc2: {  	v3 =	vor.u32 s28, v24;
	v2 =	vld.idx.msk [tilespmem:v4+s14+$0x0], $0xffff  }
0xc3: {  	v4 =	vadd.s32 v25, v1;
	_ =	sdelay $0x3  }
0xc4: {  	[tilespmem:v3+s17+$0x0] =	vst.idx.msk $0xffff, v2  }
0xc5: {  	v3 =	vor.u32 s28, v26;
	v2 =	vld.idx.msk [tilespmem:v4+s14+$0x0], $0xffff  }
0xc6: {  	v4 =	vadd.s32 v27, v1;
	_ =	sdelay $0x3  }
0xc7: {  	[tilespmem:v3+s17+$0x0] =	vst.idx.msk $0xffff, v2  }
0xc8: {  	v3 =	vor.u32 s28, v28;
	v2 =	vld.idx.msk [tilespmem:v4+s14+$0x0], $0xffff  }
0xc9: {  	v4 =	vadd.s32 v29, v1;
	_ =	sdelay $0x3  }
0xca: {  	[tilespmem:v3+s17+$0x0] =	vst.idx.msk $0xffff, v2  }
0xcb: {  	v3 =	vor.u32 s28, v30;
	v2 =	vld.idx.msk [tilespmem:v4+s14+$0x0], $0xffff  }
0xcc: {  	v4 =	vadd.s32 v31, v1;
	_ =	sdelay $0x3  }
0xcd: {  	[tilespmem:v3+s17+$0x0] =	vst.idx.msk $0xffff, v2  }
0xce: {  	v3 =	vor.u32 s28, v32;
	v2 =	vld.idx.msk [tilespmem:v4+s14+$0x0], $0xffff  }
0xcf: {  	v4 =	vadd.s32 v33, v1;
	_ =	sdelay $0x3  }
0xd0: {  	[tilespmem:v3+s17+$0x0] =	vst.idx.msk $0xffff, v2  }
0xd1: {  	v3 =	vor.u32 s28, v34;
	v2 =	vld.idx.msk [tilespmem:v4+s14+$0x0], $0xffff  }
0xd2: {  	v4 =	vadd.s32 v35, v1;
	_ =	sdelay $0x3  }
0xd3: {  	[tilespmem:v3+s17+$0x0] =	vst.idx.msk $0xffff, v2  }
0xd4: {  	v3 =	vor.u32 s28, v36;
	v2 =	vld.idx.msk [tilespmem:v4+s14+$0x0], $0xffff  }
0xd5: {  	v4 =	vadd.s32 v37, v1;
	_ =	sdelay $0x3  }
0xd6: {  	[tilespmem:v3+s17+$0x0] =	vst.idx.msk $0xffff, v2  }
0xd7: {  	v3 =	vor.u32 s28, v38;
	v2 =	vld.idx.msk [tilespmem:v4+s14+$0x0], $0xffff  }
0xd8: {  	v4 =	vadd.s32 v39, v1;
	_ =	sdelay $0x3  }
0xd9: {  	[tilespmem:v3+s17+$0x0] =	vst.idx.msk $0xffff, v2  }
0xda: {  	v3 =	vor.u32 s28, v40;
	v2 =	vld.idx.msk [tilespmem:v4+s14+$0x0], $0xffff  }
0xdb: {  	v4 =	vadd.s32 v41, v1;
	_ =	sdelay $0x3  }
0xdc: {  	[tilespmem:v3+s17+$0x0] =	vst.idx.msk $0xffff, v2  }
0xdd: {  	v3 =	vor.u32 s28, v42;
	v2 =	vld.idx.msk [tilespmem:v4+s14+$0x0], $0xffff  }
0xde: {  	v4 =	vadd.s32 v43, v1;
	_ =	sdelay $0x3  }
0xdf: {  	[tilespmem:v3+s17+$0x0] =	vst.idx.msk $0xffff, v2  }
0xe0: {  	v3 =	vor.u32 s28, v44;
	v2 =	vld.idx.msk [tilespmem:v4+s14+$0x0], $0xffff  }
0xe1: {  	v4 =	vadd.s32 v45, v1;
	_ =	sdelay $0x3  }
0xe2: {  	[tilespmem:v3+s17+$0x0] =	vst.idx.msk $0xffff, v2  }
0xe3: {  	v3 =	vor.u32 s28, v46;
	v2 =	vld.idx.msk [tilespmem:v4+s14+$0x0], $0xffff  }
0xe4: {  	v4 =	vadd.s32 v47, v1;
	_ =	sdelay $0x3  }
0xe5: {  	[tilespmem:v3+s17+$0x0] =	vst.idx.msk $0xffff, v2  }
0xe6: {  	v3 =	vor.u32 s28, v48;
	v2 =	vld.idx.msk [tilespmem:v4+s14+$0x0], $0xffff  }
0xe7: {  	v4 =	vadd.s32 v49, v1;
	_ =	sdelay $0x3  }
0xe8: {  	[tilespmem:v3+s17+$0x0] =	vst.idx.msk $0xffff, v2  }
0xe9: {  	v3 =	vor.u32 s28, v50;
	v2 =	vld.idx.msk [tilespmem:v4+s14+$0x0], $0xffff  }
0xea: {  	v4 =	vadd.s32 v51, v1;
	_ =	sdelay $0x3  }
0xeb: {  	[tilespmem:v3+s17+$0x0] =	vst.idx.msk $0xffff, v2  }
0xec: {  	v3 =	vor.u32 s28, v52;
	v2 =	vld.idx.msk [tilespmem:v4+s14+$0x0], $0xffff  }
0xed: {  	v4 =	vadd.s32 v53, v1;
	_ =	sdelay $0x3  }
0xee: {  	[tilespmem:v3+s17+$0x0] =	vst.idx.msk $0xffff, v2  }
0xef: {  	v3 =	vor.u32 s28, v54;
	v2 =	vld.idx.msk [tilespmem:v4+s14+$0x0], $0xffff  }
0xf0: {  	v4 =	vadd.s32 v55, v1;
	_ =	sdelay $0x3  }
0xf1: {  	[tilespmem:v3+s17+$0x0] =	vst.idx.msk $0xffff, v2  }
0xf2: {  	v3 =	vor.u32 s28, v56;
	v2 =	vld.idx.msk [tilespmem:v4+s14+$0x0], $0xffff  }
0xf3: {  	v4 =	vadd.s32 v57, v1;
	_ =	sdelay $0x3  }
0xf4: {  	[tilespmem:v3+s17+$0x0] =	vst.idx.msk $0xffff, v2  }
0xf5: {  	v3 =	vor.u32 s28, v58;
	v2 =	vld.idx.msk [tilespmem:v4+s14+$0x0], $0xffff  }
0xf6: {  	v4 =	vadd.s32 v59, v1;
	_ =	sdelay $0x3  }
0xf7: {  	[tilespmem:v3+s17+$0x0] =	vst.idx.msk $0xffff, v2  }
0xf8: {  	v3 =	vor.u32 s28, v60;
	v2 =	vld.idx.msk [tilespmem:v4+s14+$0x0], $0xffff  }
0xf9: {  	v4 =	vadd.s32 v61, v1;
	_ =	sdelay $0x3  }
0xfa: {  	[tilespmem:v3+s17+$0x0] =	vst.idx.msk $0xffff, v2  }
0xfb: {  	v3 =	vor.u32 s28, v62;
	v2 =	vld.idx.msk [tilespmem:v4+s14+$0x0], $0xffff  }
0xfc: {  	v4 =	vadd.s32 v63, v1;
	_ =	sdelay $0x3  }
0xfd: {  	[tilespmem:v3+s17+$0x0] =	vst.idx.msk $0xffff, v2  }
0xfe: {  	v3 =	vor.u32 s28, v0;
	v2 =	vld.idx.msk [tilespmem:v4+s14+$0x0], $0xffff;
	_ =	sdelay $0x4  }
0xff: {  	v4 =	vadd.s32 v8, v1;
	[tilespmem:v3+s17+$0x0] =	vst.idx.msk $0xffff, v2;
	v3 =	vld [tilespmem:$0x1FF80];
	_ =	sdelay $0x4  }
0x100: {  	v2 =	vld.idx.msk [tilespmem:v4+s14+$0x0], $0xffff;
	v3 =	vor.u32 s28, v3;
	_ =	sdelay $0x4  }
0x101: {  	p2 =	sne.s32 s26, $0x3E00;
	v1 =	vadd.s32 v9, v1;
	[tilespmem:v3+s17+$0x0] =	vst.idx.msk $0xffff, v2;
	v2 =	vld [tilespmem:$0x1FF50]  }
.Ltmp1:
0x102: {  	_ = 	snop;
	(pc) =	sbr.rel @p2 .LBB2_5-.Ltmp1, $2  }
0x103: {  	_ =	sdelay $0x2  }
0x104: {  	s26 =	sadd.s32 $0x200, s26;
	v1 =	vld.idx.msk [tilespmem:v1+s14+$0x0], $0xffff;
	v2 =	vor.u32 s28, v2  }
0x105: {  	_ = 	snop  }
0x106: {  	s25 =	sshll.u32 s23, $0xF  }
0x107: {  	s25 =	sadd.s32 s7, s25  }
0x108: {  	s25 =	sshrl.u32 s25, $0x3  }
0x109: {  	s28 =	simm.s32 $0x0;
	s25 =	sadd.s32 s3, s25;
	[tilespmem:v2+s17+$0x0] =	vst.idx.msk $0xffff, v1  }
0x10a: {  	v9 =	vld [tilespmem:$0x1FFE0];
	[hbm4b:s25+s28] =	stream.linear.scatter [tilespmem:s17], [sflag:$0x3], $0x4000, $0x38  }
0x10b: {  	v8 =	vld [tilespmem:$0x1FF60];
	_ =	swait.ge [sflag:s18], $0x800  }
0x10c: {  	[sflag:s18] =	ssyncset.done $0x0  }
0x10d: {  	v3 =	vlaneseq.u32;
	s25 =	simm.s32 $0xA100;
	[sflag:s18] =	ssyncadd.s32 $0xFFFFF800  }
0x10e: {  	s26 =	simm.s32 $0x4;
	v2 =	vadd.s32 s28, v3;
	v1 =	vld [tilespmem:s25+$0x0]  }
.LBB2_7:
0x10f: {  	p2 =	sne.s32 s26, $0x1FC  }
.Ltmp2:
0x110: {  	_ = 	snop;
	(pc) =	sbr.rel @p2 .LBB2_7-.Ltmp2, $3  }
0x111: {  	_ =	sdelay $0x1  }
0x112: {  	s25 =	sadd.s32 $0x10, s25;
	s28 =	smov.u32 s26;
	s26 =	sadd.s32 $0x4, s26;
	[tilespmem:v2+s16+$0x0] =	vst.idx.msk $0xffff, v1  }
0x113: {  	v2 =	vadd.s32 s28, v3;
	v1 =	vld [tilespmem:s25+$0x0]  }
0x114: {  	_ =	sdelay $0x3  }
0x115: {  	s24 =	sadd.s32 @!p0 $0x180, s24;
	s25 =	simm.s32 @!p0 $0x80;
	s26 =	simm.s32 @!p0 $0xA100;
	[tilespmem:v2+s16+$0x0] =	vst.idx.msk $0xffff, v1  }
0x116: {  	[tilespmem:s26], [sflag:$0x2] =	stream.indirect.gather @!p0 [hbm4b:s5+s25], $0x10, s24, s25, $0xb8;
	[tilespmem:$0x12B10] =	vst v63  }
0x117: {  	_ =	swait.ge @p1 [sflag:s21], $0x4000  }
0x118: {  	[sflag:s21] =	ssyncset.done @p1 $0x0  }
0x119: {  	s24 =	simm.s32 $0xA900;
	[sflag:s21] =	ssyncadd.s32 @p1 $0xFFFFC000  }
0x11a: {  	v1 =	vld [tilespmem:s24+$0x0];
	_ =	sdelay $0x4  }
0x11b: {  	v1 =	vshll.u32 v1, $0x5  }
0x11c: {  	v2 =	vadd.s32 v5, v1;
	_ =	sdelay $0x3  }
0x11d: {  	s31 =	simm.s32 $0x0  }
0x11e: {  	v3 =	vor.u32 s31, v6;
	v2 =	vld.idx.msk [tilespmem:v2+s14+$0x0], $0xffff  }
0x11f: {  	v4 =	vadd.s32 v7, v1;
	_ =	sdelay $0x3  }
0x120: {  	[tilespmem:v3+s19+$0x0] =	vst.idx.msk $0xffff, v2  }
0x121: {  	v3 =	vor.u32 s31, v8;
	v2 =	vld.idx.msk [tilespmem:v4+s14+$0x0], $0xffff  }
0x122: {  	v4 =	vadd.s32 v9, v1;
	_ =	sdelay $0x3  }
0x123: {  	[tilespmem:v3+s19+$0x0] =	vst.idx.msk $0xffff, v2  }
0x124: {  	v3 =	vor.u32 s31, v10;
	v2 =	vld.idx.msk [tilespmem:v4+s14+$0x0], $0xffff  }
0x125: {  	v4 =	vadd.s32 v11, v1;
	_ =	sdelay $0x3  }
0x126: {  	[tilespmem:v3+s19+$0x0] =	vst.idx.msk $0xffff, v2  }
0x127: {  	v3 =	vor.u32 s31, v12;
	v2 =	vld.idx.msk [tilespmem:v4+s14+$0x0], $0xffff  }
0x128: {  	v4 =	vadd.s32 v13, v1;
	_ =	sdelay $0x3  }
0x129: {  	[tilespmem:v3+s19+$0x0] =	vst.idx.msk $0xffff, v2  }
0x12a: {  	v3 =	vor.u32 s31, v14;
	v2 =	vld.idx.msk [tilespmem:v4+s14+$0x0], $0xffff  }
0x12b: {  	v4 =	vadd.s32 v15, v1;
	_ =	sdelay $0x3  }
0x12c: {  	[tilespmem:v3+s19+$0x0] =	vst.idx.msk $0xffff, v2  }
0x12d: {  	v3 =	vor.u32 s31, v16;
	v2 =	vld.idx.msk [tilespmem:v4+s14+$0x0], $0xffff  }
0x12e: {  	v4 =	vadd.s32 v17, v1;
	_ =	sdelay $0x3  }
0x12f: {  	[tilespmem:v3+s19+$0x0] =	vst.idx.msk $0xffff, v2  }
0x130: {  	v3 =	vor.u32 s31, v18;
	v2 =	vld.idx.msk [tilespmem:v4+s14+$0x0], $0xffff  }
0x131: {  	v4 =	vadd.s32 v19, v1;
	_ =	sdelay $0x3  }
0x132: {  	[tilespmem:v3+s19+$0x0] =	vst.idx.msk $0xffff, v2  }
0x133: {  	v3 =	vor.u32 s31, v20;
	v2 =	vld.idx.msk [tilespmem:v4+s14+$0x0], $0xffff  }
0x134: {  	v4 =	vadd.s32 v21, v1;
	_ =	sdelay $0x3  }
0x135: {  	[tilespmem:v3+s19+$0x0] =	vst.idx.msk $0xffff, v2  }
0x136: {  	v3 =	vor.u32 s31, v22;
	v2 =	vld.idx.msk [tilespmem:v4+s14+$0x0], $0xffff  }
0x137: {  	v4 =	vadd.s32 v23, v1;
	_ =	sdelay $0x3  }
0x138: {  	[tilespmem:v3+s19+$0x0] =	vst.idx.msk $0xffff, v2  }
0x139: {  	v3 =	vor.u32 s31, v24;
	v2 =	vld.idx.msk [tilespmem:v4+s14+$0x0], $0xffff  }
0x13a: {  	v4 =	vadd.s32 v25, v1;
	_ =	sdelay $0x3  }
0x13b: {  	[tilespmem:v3+s19+$0x0] =	vst.idx.msk $0xffff, v2  }
0x13c: {  	v3 =	vor.u32 s31, v26;
	v2 =	vld.idx.msk [tilespmem:v4+s14+$0x0], $0xffff  }
0x13d: {  	v4 =	vadd.s32 v27, v1;
	_ =	sdelay $0x3  }
0x13e: {  	[tilespmem:v3+s19+$0x0] =	vst.idx.msk $0xffff, v2  }
0x13f: {  	v3 =	vor.u32 s31, v28;
	v2 =	vld.idx.msk [tilespmem:v4+s14+$0x0], $0xffff  }
0x140: {  	v4 =	vadd.s32 v29, v1;
	_ =	sdelay $0x3  }
0x141: {  	[tilespmem:v3+s19+$0x0] =	vst.idx.msk $0xffff, v2  }
0x142: {  	v3 =	vor.u32 s31, v30;
	v2 =	vld.idx.msk [tilespmem:v4+s14+$0x0], $0xffff  }
0x143: {  	v4 =	vadd.s32 v31, v1;
	_ =	sdelay $0x3  }
0x144: {  	[tilespmem:v3+s19+$0x0] =	vst.idx.msk $0xffff, v2  }
0x145: {  	v3 =	vor.u32 s31, v32;
	v2 =	vld.idx.msk [tilespmem:v4+s14+$0x0], $0xffff  }
0x146: {  	v4 =	vadd.s32 v33, v1;
	_ =	sdelay $0x3  }
0x147: {  	[tilespmem:v3+s19+$0x0] =	vst.idx.msk $0xffff, v2  }
0x148: {  	v3 =	vor.u32 s31, v34;
	v2 =	vld.idx.msk [tilespmem:v4+s14+$0x0], $0xffff  }
0x149: {  	v4 =	vadd.s32 v35, v1;
	_ =	sdelay $0x3  }
0x14a: {  	[tilespmem:v3+s19+$0x0] =	vst.idx.msk $0xffff, v2  }
0x14b: {  	v3 =	vor.u32 s31, v36;
	v2 =	vld.idx.msk [tilespmem:v4+s14+$0x0], $0xffff  }
0x14c: {  	v4 =	vadd.s32 v37, v1;
	_ =	sdelay $0x3  }
0x14d: {  	[tilespmem:v3+s19+$0x0] =	vst.idx.msk $0xffff, v2  }
0x14e: {  	v3 =	vor.u32 s31, v38;
	v2 =	vld.idx.msk [tilespmem:v4+s14+$0x0], $0xffff  }
0x14f: {  	v4 =	vadd.s32 v39, v1;
	_ =	sdelay $0x3  }
0x150: {  	[tilespmem:v3+s19+$0x0] =	vst.idx.msk $0xffff, v2  }
0x151: {  	v3 =	vor.u32 s31, v40;
	v2 =	vld.idx.msk [tilespmem:v4+s14+$0x0], $0xffff  }
0x152: {  	v4 =	vadd.s32 v41, v1;
	_ =	sdelay $0x3  }
0x153: {  	[tilespmem:v3+s19+$0x0] =	vst.idx.msk $0xffff, v2  }
0x154: {  	v3 =	vor.u32 s31, v42;
	v2 =	vld.idx.msk [tilespmem:v4+s14+$0x0], $0xffff  }
0x155: {  	v4 =	vadd.s32 v43, v1;
	_ =	sdelay $0x3  }
0x156: {  	[tilespmem:v3+s19+$0x0] =	vst.idx.msk $0xffff, v2  }
0x157: {  	v3 =	vor.u32 s31, v44;
	v2 =	vld.idx.msk [tilespmem:v4+s14+$0x0], $0xffff  }
0x158: {  	v4 =	vadd.s32 v45, v1;
	_ =	sdelay $0x3  }
0x159: {  	[tilespmem:v3+s19+$0x0] =	vst.idx.msk $0xffff, v2  }
0x15a: {  	v3 =	vor.u32 s31, v46;
	v2 =	vld.idx.msk [tilespmem:v4+s14+$0x0], $0xffff  }
0x15b: {  	v4 =	vadd.s32 v47, v1;
	_ =	sdelay $0x3  }
0x15c: {  	[tilespmem:v3+s19+$0x0] =	vst.idx.msk $0xffff, v2  }
0x15d: {  	v3 =	vor.u32 s31, v48;
	v2 =	vld.idx.msk [tilespmem:v4+s14+$0x0], $0xffff  }
0x15e: {  	v4 =	vadd.s32 v49, v1;
	_ =	sdelay $0x3  }
0x15f: {  	[tilespmem:v3+s19+$0x0] =	vst.idx.msk $0xffff, v2  }
0x160: {  	v3 =	vor.u32 s31, v50;
	v2 =	vld.idx.msk [tilespmem:v4+s14+$0x0], $0xffff  }
0x161: {  	v4 =	vadd.s32 v51, v1;
	_ =	sdelay $0x3  }
0x162: {  	[tilespmem:v3+s19+$0x0] =	vst.idx.msk $0xffff, v2  }
0x163: {  	v3 =	vor.u32 s31, v52;
	v2 =	vld.idx.msk [tilespmem:v4+s14+$0x0], $0xffff  }
0x164: {  	v4 =	vadd.s32 v53, v1;
	_ =	sdelay $0x3  }
0x165: {  	[tilespmem:v3+s19+$0x0] =	vst.idx.msk $0xffff, v2  }
0x166: {  	v3 =	vor.u32 s31, v54;
	v2 =	vld.idx.msk [tilespmem:v4+s14+$0x0], $0xffff  }
0x167: {  	v4 =	vadd.s32 v55, v1;
	_ =	sdelay $0x3  }
0x168: {  	[tilespmem:v3+s19+$0x0] =	vst.idx.msk $0xffff, v2  }
0x169: {  	v3 =	vor.u32 s31, v56;
	v2 =	vld.idx.msk [tilespmem:v4+s14+$0x0], $0xffff  }
0x16a: {  	v4 =	vadd.s32 v57, v1;
	_ =	sdelay $0x3  }
0x16b: {  	[tilespmem:v3+s19+$0x0] =	vst.idx.msk $0xffff, v2  }
0x16c: {  	v3 =	vor.u32 s31, v58;
	v2 =	vld.idx.msk [tilespmem:v4+s14+$0x0], $0xffff  }
0x16d: {  	v4 =	vadd.s32 v59, v1  }
0x16e: {  	v61 =	vld [tilespmem:$0x1FFF0];
	_ =	sdelay $0x2  }
0x16f: {  	[tilespmem:v3+s19+$0x0] =	vst.idx.msk $0xffff, v2  }
0x170: {  	v3 =	vor.u32 s31, v60;
	v2 =	vld.idx.msk [tilespmem:v4+s14+$0x0], $0xffff  }
0x171: {  	v62 =	vld [tilespmem:$0x1FFD0];
	v4 =	vadd.s32 v61, v1  }
0x172: {  	v63 =	vld [tilespmem:$0x1FFC0];
	_ =	sdelay $0x2  }
0x173: {  	[tilespmem:v3+s19+$0x0] =	vst.idx.msk $0xffff, v2  }
0x174: {  	v3 =	vor.u32 s31, v62;
	v2 =	vld.idx.msk [tilespmem:v4+s14+$0x0], $0xffff  }
0x175: {  	v10 =	vld [tilespmem:$0x1FFB0];
	v4 =	vadd.s32 v63, v1  }
0x176: {  	v0 =	vld [tilespmem:$0x1FF90];
	_ =	sdelay $0x2  }
0x177: {  	[tilespmem:v3+s19+$0x0] =	vst.idx.msk $0xffff, v2  }
0x178: {  	v3 =	vor.u32 s31, v10;
	v2 =	vld.idx.msk [tilespmem:v4+s14+$0x0], $0xffff  }
0x179: {  	v8 =	vld [tilespmem:$0x1FF80];
	v4 =	vadd.s32 v0, v1;
	_ =	sdelay $0x3  }
0x17a: {  	v9 =	vld [tilespmem:$0x1FFA0];
	[tilespmem:v3+s19+$0x0] =	vst.idx.msk $0xffff, v2  }
0x17b: {  	v3 =	vor.u32 s31, v8;
	v2 =	vld.idx.msk [tilespmem:v4+s14+$0x0], $0xffff;
	_ =	sdelay $0x4  }
0x17c: {  	v1 =	vadd.s32 v9, v1;
	[tilespmem:v3+s19+$0x0] =	vst.idx.msk $0xffff, v2;
	v2 =	vld [tilespmem:$0x1FF50];
	_ =	sdelay $0x4  }
0x17d: {  	s25 =	simm.s32 $0x200;
	v1 =	vld.idx.msk [tilespmem:v1+s14+$0x0], $0xffff;
	v2 =	vor.u32 s31, v2  }
.LBB2_9:
0x17e: {  	_ =	sdelay $0x3  }
0x17f: {  	s24 =	sadd.s32 $0x10, s24;
	[tilespmem:v2+s19+$0x0] =	vst.idx.msk $0xffff, v1  }
0x180: {  	v1 =	vld [tilespmem:s24+$0x0];
	_ =	sdelay $0x4  }
0x181: {  	v1 =	vshll.u32 v1, $0x5  }
0x182: {  	v2 =	vadd.s32 v5, v1;
	_ =	sdelay $0x3  }
0x183: {  	s26 =	smov.u32 s25  }
0x184: {  	v3 =	vor.u32 s26, v6;
	v2 =	vld.idx.msk [tilespmem:v2+s14+$0x0], $0xffff;
	_ =	sdelay $0x3  }
0x185: {  	v4 =	vadd.s32 v7, v1  }
0x186: {  	[tilespmem:v3+s19+$0x0] =	vst.idx.msk $0xffff, v2;
	v3 =	vld [tilespmem:$0x1FF60];
	_ =	sdelay $0x3  }
0x187: {  	v2 =	vld.idx.msk [tilespmem:v4+s14+$0x0], $0xffff  }
0x188: {  	v4 =	vld [tilespmem:$0x1FFE0];
	v3 =	vor.u32 s26, v3;
	_ =	sdelay $0x4  }
0x189: {  	v4 =	vadd.s32 v4, v1;
	[tilespmem:v3+s19+$0x0] =	vst.idx.msk $0xffff, v2;
	v3 =	vld [tilespmem:$0x1FF70];
	_ =	sdelay $0x4  }
0x18a: {  	v2 =	vld.idx.msk [tilespmem:v4+s14+$0x0], $0xffff;
	v3 =	vor.u32 s26, v3  }
0x18b: {  	v4 =	vadd.s32 v11, v1;
	_ =	sdelay $0x3  }
0x18c: {  	[tilespmem:v3+s19+$0x0] =	vst.idx.msk $0xffff, v2  }
0x18d: {  	v3 =	vor.u32 s26, v12;
	v2 =	vld.idx.msk [tilespmem:v4+s14+$0x0], $0xffff  }
0x18e: {  	v4 =	vadd.s32 v13, v1;
	_ =	sdelay $0x3  }
0x18f: {  	[tilespmem:v3+s19+$0x0] =	vst.idx.msk $0xffff, v2  }
0x190: {  	v3 =	vor.u32 s26, v14;
	v2 =	vld.idx.msk [tilespmem:v4+s14+$0x0], $0xffff  }
0x191: {  	v4 =	vadd.s32 v15, v1;
	_ =	sdelay $0x3  }
0x192: {  	[tilespmem:v3+s19+$0x0] =	vst.idx.msk $0xffff, v2  }
0x193: {  	v3 =	vor.u32 s26, v16;
	v2 =	vld.idx.msk [tilespmem:v4+s14+$0x0], $0xffff  }
0x194: {  	v4 =	vadd.s32 v17, v1;
	_ =	sdelay $0x3  }
0x195: {  	[tilespmem:v3+s19+$0x0] =	vst.idx.msk $0xffff, v2  }
0x196: {  	v3 =	vor.u32 s26, v18;
	v2 =	vld.idx.msk [tilespmem:v4+s14+$0x0], $0xffff  }
0x197: {  	v4 =	vadd.s32 v19, v1;
	_ =	sdelay $0x3  }
0x198: {  	[tilespmem:v3+s19+$0x0] =	vst.idx.msk $0xffff, v2  }
0x199: {  	v3 =	vor.u32 s26, v20;
	v2 =	vld.idx.msk [tilespmem:v4+s14+$0x0], $0xffff  }
0x19a: {  	v4 =	vadd.s32 v21, v1;
	_ =	sdelay $0x3  }
0x19b: {  	[tilespmem:v3+s19+$0x0] =	vst.idx.msk $0xffff, v2  }
0x19c: {  	v3 =	vor.u32 s26, v22;
	v2 =	vld.idx.msk [tilespmem:v4+s14+$0x0], $0xffff  }
0x19d: {  	v4 =	vadd.s32 v23, v1;
	_ =	sdelay $0x3  }
0x19e: {  	[tilespmem:v3+s19+$0x0] =	vst.idx.msk $0xffff, v2  }
0x19f: {  	v3 =	vor.u32 s26, v24;
	v2 =	vld.idx.msk [tilespmem:v4+s14+$0x0], $0xffff  }
0x1a0: {  	v4 =	vadd.s32 v25, v1;
	_ =	sdelay $0x3  }
0x1a1: {  	[tilespmem:v3+s19+$0x0] =	vst.idx.msk $0xffff, v2  }
0x1a2: {  	v3 =	vor.u32 s26, v26;
	v2 =	vld.idx.msk [tilespmem:v4+s14+$0x0], $0xffff  }
0x1a3: {  	v4 =	vadd.s32 v27, v1;
	_ =	sdelay $0x3  }
0x1a4: {  	[tilespmem:v3+s19+$0x0] =	vst.idx.msk $0xffff, v2  }
0x1a5: {  	v3 =	vor.u32 s26, v28;
	v2 =	vld.idx.msk [tilespmem:v4+s14+$0x0], $0xffff  }
0x1a6: {  	v4 =	vadd.s32 v29, v1;
	_ =	sdelay $0x3  }
0x1a7: {  	[tilespmem:v3+s19+$0x0] =	vst.idx.msk $0xffff, v2  }
0x1a8: {  	v3 =	vor.u32 s26, v30;
	v2 =	vld.idx.msk [tilespmem:v4+s14+$0x0], $0xffff  }
0x1a9: {  	v4 =	vadd.s32 v31, v1;
	_ =	sdelay $0x3  }
0x1aa: {  	[tilespmem:v3+s19+$0x0] =	vst.idx.msk $0xffff, v2  }
0x1ab: {  	v3 =	vor.u32 s26, v32;
	v2 =	vld.idx.msk [tilespmem:v4+s14+$0x0], $0xffff  }
0x1ac: {  	v4 =	vadd.s32 v33, v1;
	_ =	sdelay $0x3  }
0x1ad: {  	[tilespmem:v3+s19+$0x0] =	vst.idx.msk $0xffff, v2  }
0x1ae: {  	v3 =	vor.u32 s26, v34;
	v2 =	vld.idx.msk [tilespmem:v4+s14+$0x0], $0xffff  }
0x1af: {  	v4 =	vadd.s32 v35, v1;
	_ =	sdelay $0x3  }
0x1b0: {  	[tilespmem:v3+s19+$0x0] =	vst.idx.msk $0xffff, v2  }
0x1b1: {  	v3 =	vor.u32 s26, v36;
	v2 =	vld.idx.msk [tilespmem:v4+s14+$0x0], $0xffff  }
0x1b2: {  	v4 =	vadd.s32 v37, v1;
	_ =	sdelay $0x3  }
0x1b3: {  	[tilespmem:v3+s19+$0x0] =	vst.idx.msk $0xffff, v2  }
0x1b4: {  	v3 =	vor.u32 s26, v38;
	v2 =	vld.idx.msk [tilespmem:v4+s14+$0x0], $0xffff  }
0x1b5: {  	v4 =	vadd.s32 v39, v1;
	_ =	sdelay $0x3  }
0x1b6: {  	[tilespmem:v3+s19+$0x0] =	vst.idx.msk $0xffff, v2  }
0x1b7: {  	v3 =	vor.u32 s26, v40;
	v2 =	vld.idx.msk [tilespmem:v4+s14+$0x0], $0xffff  }
0x1b8: {  	v4 =	vadd.s32 v41, v1;
	_ =	sdelay $0x3  }
0x1b9: {  	[tilespmem:v3+s19+$0x0] =	vst.idx.msk $0xffff, v2  }
0x1ba: {  	v3 =	vor.u32 s26, v42;
	v2 =	vld.idx.msk [tilespmem:v4+s14+$0x0], $0xffff  }
0x1bb: {  	v4 =	vadd.s32 v43, v1;
	_ =	sdelay $0x3  }
0x1bc: {  	[tilespmem:v3+s19+$0x0] =	vst.idx.msk $0xffff, v2  }
0x1bd: {  	v3 =	vor.u32 s26, v44;
	v2 =	vld.idx.msk [tilespmem:v4+s14+$0x0], $0xffff  }
0x1be: {  	v4 =	vadd.s32 v45, v1;
	_ =	sdelay $0x3  }
0x1bf: {  	[tilespmem:v3+s19+$0x0] =	vst.idx.msk $0xffff, v2  }
0x1c0: {  	v3 =	vor.u32 s26, v46;
	v2 =	vld.idx.msk [tilespmem:v4+s14+$0x0], $0xffff  }
0x1c1: {  	v4 =	vadd.s32 v47, v1;
	_ =	sdelay $0x3  }
0x1c2: {  	[tilespmem:v3+s19+$0x0] =	vst.idx.msk $0xffff, v2  }
0x1c3: {  	v3 =	vor.u32 s26, v48;
	v2 =	vld.idx.msk [tilespmem:v4+s14+$0x0], $0xffff  }
0x1c4: {  	v4 =	vadd.s32 v49, v1;
	_ =	sdelay $0x3  }
0x1c5: {  	[tilespmem:v3+s19+$0x0] =	vst.idx.msk $0xffff, v2  }
0x1c6: {  	v3 =	vor.u32 s26, v50;
	v2 =	vld.idx.msk [tilespmem:v4+s14+$0x0], $0xffff  }
0x1c7: {  	v4 =	vadd.s32 v51, v1;
	_ =	sdelay $0x3  }
0x1c8: {  	[tilespmem:v3+s19+$0x0] =	vst.idx.msk $0xffff, v2  }
0x1c9: {  	v3 =	vor.u32 s26, v52;
	v2 =	vld.idx.msk [tilespmem:v4+s14+$0x0], $0xffff  }
0x1ca: {  	v4 =	vadd.s32 v53, v1;
	_ =	sdelay $0x3  }
0x1cb: {  	[tilespmem:v3+s19+$0x0] =	vst.idx.msk $0xffff, v2  }
0x1cc: {  	v3 =	vor.u32 s26, v54;
	v2 =	vld.idx.msk [tilespmem:v4+s14+$0x0], $0xffff  }
0x1cd: {  	v4 =	vadd.s32 v55, v1;
	_ =	sdelay $0x3  }
0x1ce: {  	[tilespmem:v3+s19+$0x0] =	vst.idx.msk $0xffff, v2  }
0x1cf: {  	v3 =	vor.u32 s26, v56;
	v2 =	vld.idx.msk [tilespmem:v4+s14+$0x0], $0xffff  }
0x1d0: {  	v4 =	vadd.s32 v57, v1;
	_ =	sdelay $0x3  }
0x1d1: {  	[tilespmem:v3+s19+$0x0] =	vst.idx.msk $0xffff, v2  }
0x1d2: {  	v3 =	vor.u32 s26, v58;
	v2 =	vld.idx.msk [tilespmem:v4+s14+$0x0], $0xffff  }
0x1d3: {  	v4 =	vadd.s32 v59, v1;
	_ =	sdelay $0x3  }
0x1d4: {  	[tilespmem:v3+s19+$0x0] =	vst.idx.msk $0xffff, v2  }
0x1d5: {  	v3 =	vor.u32 s26, v60;
	v2 =	vld.idx.msk [tilespmem:v4+s14+$0x0], $0xffff  }
0x1d6: {  	v4 =	vadd.s32 v61, v1;
	_ =	sdelay $0x3  }
0x1d7: {  	[tilespmem:v3+s19+$0x0] =	vst.idx.msk $0xffff, v2  }
0x1d8: {  	v3 =	vor.u32 s26, v62;
	v2 =	vld.idx.msk [tilespmem:v4+s14+$0x0], $0xffff  }
0x1d9: {  	v4 =	vadd.s32 v63, v1;
	_ =	sdelay $0x3  }
0x1da: {  	[tilespmem:v3+s19+$0x0] =	vst.idx.msk $0xffff, v2  }
0x1db: {  	v3 =	vor.u32 s26, v10;
	v2 =	vld.idx.msk [tilespmem:v4+s14+$0x0], $0xffff  }
0x1dc: {  	v4 =	vadd.s32 v0, v1;
	_ =	sdelay $0x3  }
0x1dd: {  	[tilespmem:v3+s19+$0x0] =	vst.idx.msk $0xffff, v2  }
0x1de: {  	v3 =	vor.u32 s26, v8;
	v2 =	vld.idx.msk [tilespmem:v4+s14+$0x0], $0xffff;
	_ =	sdelay $0x4  }
0x1df: {  	p0 =	sne.s32 s25, $0x3E00;
	v1 =	vadd.s32 v9, v1;
	[tilespmem:v3+s19+$0x0] =	vst.idx.msk $0xffff, v2;
	v2 =	vld [tilespmem:$0x1FF50]  }
.Ltmp3:
0x1e0: {  	_ = 	snop;
	(pc) =	sbr.rel @p0 .LBB2_9-.Ltmp3, $2  }
0x1e1: {  	_ =	sdelay $0x2  }
0x1e2: {  	s25 =	sadd.s32 $0x200, s25;
	v1 =	vld.idx.msk [tilespmem:v1+s14+$0x0], $0xffff;
	v2 =	vor.u32 s26, v2  }
0x1e3: {  	s24 =	sshll.u32 s23, $0xC;
	s23 =	sadd.s32 $0x1, s23  }
0x1e4: {  	p0 =	sne.s32 s23, $0x19  }
.Ltmp4:
0x1e5: {  	_ = 	snop;
	(pc) =	sbr.rel @p0 .LBB2_2-.Ltmp4, $3  }
0x1e6: {  	_ =	sdelay $0x1  }
0x1e7: {  	s24 =	sadd.s32 s9, s24;
	[tilespmem:v2+s19+$0x0] =	vst.idx.msk $0xffff, v1;
	v1 =	vld [tilespmem:$0x1FFE0]  }
0x1e8: {  	v4 =	vmov v10;
	v8 =	vmov v0;
	v2 =	vlaneseq.u32;
	[hbm4b:s24+s4] =	stream.linear.scatter [tilespmem:s19], [sflag:$0x4], $0x4000, $0x38;
	[tilespmem:$0x12B10] =	vst v63  }
0x1e9: {  	s22 =	sadd.s32 $0x1, s22  }
0x1ea: {  	_ =	swait.ge [sflag:s20], $0x4000;
	p0 =	sne.s32 s22, s8  }
.Ltmp5:
0x1eb: {  	[sflag:s20] =	ssyncset.done $0x0;
	(pc) =	sbr.rel @p0 .LBB2_1-.Ltmp5, $4  }
0x1ec: {  	[sflag:s20] =	ssyncadd.s32 $0xFFFFC000  }
0x1ed: {  	_ =	swait.ge [sflag:s21], $0x4000  }
0x1ee: {  	[sflag:s21] =	ssyncset.done $0x0  }
0x1ef: {  	[sflag:s21] =	ssyncadd.s32 $0xFFFFC000  }
0x1f0: {  	_ =	sfence.sel $0x180000  }
0x1f1: {  	[bflag:$0x0] =	sbarrier.arrive $0xFFFF  }
0x1f2: {  	p0 =	sne.s32 s1, $0x0;
	_ =	strace $0x90000047  }
0x1f3: {  	s0 =	sadd.s32 @!p0 $0x100000, s2;
	[bflag:$0x2] =	sbarrier.arrive $0xFFFF  }
0x1f4: {  	[sflag:s0] =	ssyncadd.tile.s32 @!p0 $0x1;
	_ =	shalt  }
.Lfunc_end2:
_tile_overlayer_lowered:
.L_overlay_start_2:
0x1f5: {  	(tag) =	ssettag $0x2  }
0x1f6: {  	s0 =	rddreg [dreg:$0x0];
	s2 =	stileid.u32  }
0x1f7: {  	s1 =	rddreg [dreg:$0x1];
	p0 =	sne.s32 s2, $0x0  }
0x1f8: {  	s3 =	rddreg [dreg:$0x2];
	[bflag:$0x3] =	sbarrier.arrive $0xFFFF;
	s2 =	simm.s32 @!p0 $0x1C05  }
0x1f9: {  	[timem:s3], [sflag:s2] =	dma.local @!p0 [hbm:s0], s1  }
0x1fa: {  	s0 =	simm.s32 @!p0 $0x5  }
0x1fb: {  	_ =	swait.ge @!p0 [sflag:s0], s1  }
0x1fc: {  	s1 =	ssub.s32 @!p0 $0x0, s1;
	[sflag:s0] =	ssyncset.done @!p0 $0x0  }
0x1fd: {  	[sflag:s0] =	ssyncadd.s32 @!p0 s1  }
0x1fe: {  	[bflag:$0x3] =	sbarrier.arrive $0xFFFF  }
0x1ff: {  	_ =	shalt  }

</sc_bundles>
